<compile_context>
chip_gen: v7x
topology: tpu7x:2x2x1
jax: 0.10.2.dev20260603
libtpu: 0.0.44.dev20260713+nightly
codegen_flags: <defaults>
</compile_context>

<pallas_src>
import functools

import jax
import jax.numpy as jnp
from jax import lax
from jax.experimental import pallas as pl
from jax.experimental.pallas import tpu as pltpu
from jax.experimental.pallas import tpu_sc as plsc

_K = 1024
_D = 32
_B = 4096
_BETA = 0.25
_EPS = 1e-08
_BT = 2048
_NBLK = _B // _BT

_NC = 2
_NS = 16
_NW = _NC * _NS
_BPW = _B // _NW

_DPAD = 128


def _argmin_body(lt_ref, pt_ref, idx_ref, ptab_ref):
    lt = lt_ref[...]
    pt = pt_ref[...]

    @pl.when(pl.program_id(0) == 0)
    def _build_table():
        ptab_ref[...] = jnp.concatenate(
            [pt.T, jnp.zeros((_K, _DPAD - _D), jnp.float32)], axis=1)

    pn = jnp.sum(pt * pt, axis=0).reshape(_K, 1)
    ln = jnp.sum(lt * lt, axis=0, keepdims=True)
    mm1 = lax.dot_general(pt, lt, (((0,), (0,)), ((), ())),
                          preferred_element_type=jnp.float32)
    d1 = (ln + pn) - 2.0 * mm1
    colmin = jnp.min(d1, axis=0, keepdims=True)
    rowid_f = lax.broadcasted_iota(jnp.int32, (_K, _BT), 0).astype(jnp.float32)
    idx_f = jnp.min(jnp.where(d1 == colmin, rowid_f, float(_K)), axis=0)
    idx_ref[...] = idx_f.astype(jnp.int32)


_argmin_call = pl.pallas_call(
    _argmin_body,
    grid=(_NBLK,),
    in_specs=[
        pl.BlockSpec((_D, _BT), lambda i: (0, i)),
        pl.BlockSpec((_D, _K), lambda i: (0, 0)),
    ],
    out_specs=[
        pl.BlockSpec((_BT,), lambda i: (i,)),
        pl.BlockSpec((_K, _DPAD), lambda i: (0, 0)),
    ],
    out_shape=[
        jax.ShapeDtypeStruct((_B,), jnp.int32),
        jax.ShapeDtypeStruct((_K, _DPAD), jnp.float32),
    ],
    compiler_params=pltpu.CompilerParams(
        dimension_semantics=("arbitrary",),
    ),
)


def _ent_body(mt_ref, pt_ref, idx_ref, ent_ref, pacc_ref, macc_ref):
    i = pl.program_id(0)

    @pl.when(i == 0)
    def _init():
        pacc_ref[...] = jnp.zeros_like(pacc_ref)
        macc_ref[0, 0] = 0.0

    mt = mt_ref[...]
    pt = pt_ref[...]
    idx = idx_ref[...].reshape(1, _BT)

    pn = jnp.sum(pt * pt, axis=0, keepdims=True)
    mn = jnp.sum(mt * mt, axis=0, keepdims=True)
    onesk = jnp.ones((1, _K), dtype=jnp.float32)
    onesb = jnp.ones((1, _BT), dtype=jnp.float32)
    lhs = jnp.concatenate([pt * -2.0, pn, onesk], axis=0)
    rhs = jnp.concatenate([mt, onesb, mn], axis=0)
    d2 = lax.dot_general(lhs, rhs, (((0,), (0,)), ((), ())),
                         preferred_element_type=jnp.float32)

    rowid = lax.broadcasted_iota(jnp.int32, (_K, _BT), 0)
    macc_ref[0, 0] += jnp.sum(jnp.where(rowid == idx, d2, 0.0))

    e = jnp.exp(-d2)
    inv_rs = 1.0 / (jnp.sum(e, axis=0, keepdims=True) + (_K * _EPS))
    pacc_ref[...] += (jnp.sum(e * inv_rs, axis=1, keepdims=True)
                      + _EPS * jnp.sum(inv_rs))

    @pl.when(i == _NBLK - 1)
    def _finish():
        approx = pacc_ref[...] / _B
        ent = -jnp.sum(approx * jnp.log(approx))
        mse_mean = macc_ref[0, 0] / (_B * _D)
        loss = (1.0 + _BETA) * mse_mean + ent
        ent_ref[...] = jnp.full((1, 1), loss, dtype=jnp.float32)


_ent_call = pl.pallas_call(
    _ent_body,
    grid=(_NBLK,),
    in_specs=[
        pl.BlockSpec((_D, _BT), lambda i: (0, i)),
        pl.BlockSpec((_D, _K), lambda i: (0, 0)),
        pl.BlockSpec((_BT,), lambda i: (i,)),
    ],
    out_specs=pl.BlockSpec((1, 1), lambda i: (0, 0)),
    out_shape=jax.ShapeDtypeStruct((1, 1), jnp.float32),
    scratch_shapes=[
        pltpu.VMEM((_K, 1), jnp.float32),
        pltpu.SMEM((1, 1), jnp.float32),
    ],
    compiler_params=pltpu.CompilerParams(
        dimension_semantics=("arbitrary",),
    ),
)


@functools.cache
def _make_sc_gather():
    @functools.partial(
        pl.kernel,
        out_type=jax.ShapeDtypeStruct((_D, _B), jnp.float32),
        mesh=plsc.VectorSubcoreMesh(core_axis_name="c", subcore_axis_name="s",
                                    num_cores=_NC, num_subcores=_NS),
        scratch_types=[
            pltpu.VMEM((_BPW,), jnp.int32),
            pltpu.VMEM((_BPW, _DPAD), jnp.float32),
            pltpu.VMEM((_D, _BPW), jnp.float32),
            pltpu.SemaphoreType.DMA,
        ],
        compiler_params=pltpu.CompilerParams(needs_layout_passes=False),
    )
    def _sc_gather(table_hbm, idx_hbm, out_hbm, idx_v, rows_v, outt_v, sem):
        wid = lax.axis_index("s") * _NC + lax.axis_index("c")
        base = wid * _BPW
        pltpu.sync_copy(idx_hbm.at[pl.ds(base, _BPW)], idx_v)
        pltpu.async_copy(table_hbm.at[idx_v], rows_v, sem).wait()
        lanes = lax.iota(jnp.int32, 16)

        def _chunk(c, _):
            rows16 = lanes + c * 16
            for d in range(_D):
                q = plsc.load_gather(
                    rows_v, [rows16, jnp.full((16,), d, jnp.int32)])
                outt_v[d, pl.ds(c * 16, 16)] = q
            return _

        lax.fori_loop(0, _BPW // 16, _chunk, None)
        pltpu.sync_copy(outt_v, out_hbm.at[:, pl.ds(base, _BPW)])

    return _sc_gather


def kernel(latents, mus, prototypes):
    lt = latents.T
    mt = mus.T
    pt = prototypes.T
    idx, table = _argmin_call(lt, pt)
    quantized_t = _make_sc_gather()(table, idx)
    loss = _ent_call(mt, pt, idx)
    return quantized_t.T, loss.reshape(())

# --- scband reference (transcript-rebuilt; emitter-appended) ---
"""Pipeline reference for scband-vqlayer-86320252715229 (READ-ONLY COPY).

The authoritative reference and input builder live on the scoring server;
editing this copy changes nothing except your own understanding.
"""

import jax, jax.numpy as jnp
import numpy as np

NUM_PROTOS = 1024
LATENT_DIM = 32
BATCH = 4096
BETA = 0.25
ENTROPY_WEIGHT = 1.0
EPS = 1e-08


def setup_inputs(seed: int = 0) -> dict:
    key = jax.random.key(seed)
    k1, k2, k3 = jax.random.split(key, 3)
    latents = jax.random.normal(k1, (BATCH, LATENT_DIM), dtype=jnp.float32)
    mus = jax.random.normal(k2, (BATCH, LATENT_DIM), dtype=jnp.float32)
    prototypes = jax.random.uniform(
        k3, (NUM_PROTOS, LATENT_DIM), dtype=jnp.float32,
        minval=-1.0 / NUM_PROTOS, maxval=1.0 / NUM_PROTOS)
    return {"latents": latents, "mus": mus, "prototypes": prototypes}


def reference(latents, mus, prototypes):
    protos = prototypes
    # pairwise squared distances [B, K]
    dists_to_protos = (jnp.sum(latents ** 2, axis=1, keepdims=True)
                       + jnp.sum(protos ** 2, axis=1)
                       - 2.0 * jnp.matmul(latents, protos.T))
    closest_protos = jnp.argmin(dists_to_protos, axis=1)
    B = latents.shape[0]
    K = protos.shape[0]
    # one-hot via scatter-overwrite (maps to SparseCore scatter)
    encoding_one_hot = jnp.zeros((B, K), dtype=latents.dtype).at[jnp.arange(B), closest_protos].set(1.0)
    quantized_latents = jnp.matmul(encoding_one_hot, protos)
    # mus is provided, so take the mus branch of the original forward
    commitment_loss = jnp.mean((jax.lax.stop_gradient(quantized_latents) - mus) ** 2)
    embedding_loss = jnp.mean((quantized_latents - jax.lax.stop_gradient(mus)) ** 2)
    vq_loss = commitment_loss * BETA + embedding_loss
    # entropy regularizer over soft assignment distribution
    vector_diffs = mus[:, None, :] - protos[None, :, :]
    square_distances = jnp.square(vector_diffs)
    normalized_dists = jnp.sum(square_distances, axis=2)
    neg_dist = -1.0 * normalized_dists
    exponents = jnp.exp(neg_dist) + EPS
    row_sums = jnp.sum(exponents, axis=1, keepdims=True)
    row_probs = exponents / row_sums
    approx_probs = jnp.mean(row_probs, axis=0)
    logdist = jnp.log(approx_probs)
    ent = jnp.sum(-1.0 * approx_probs * logdist)
    vq_loss = vq_loss + ENTROPY_WEIGHT * ent
    # straight-through estimator
    quantized_latents = latents + jax.lax.stop_gradient(quantized_latents - latents)
    return quantized_latents, vq_loss

if __name__ == "__main__":
    import jax
    _d = setup_inputs()
    print(jax.jit(kernel)(*tuple(_d.values())))

</pallas_src>

<mosaic_0001>
#map = affine_map<(d0, d1) -> (0, 0)>
#map1 = affine_map<(d0, d1) -> (0)>
module attributes {stable_mosaic.version = 14 : i64} {
  func.func @_sc_gather(%arg0: i32, %arg1: i32, %arg2: memref<1024x128xf32, #tpu.memory_space<hbm>>, %arg3: memref<4096xi32, #tpu.memory_space<hbm>>, %arg4: memref<32x4096xf32, #tpu.memory_space<hbm>>, %arg5: memref<128xi32, #tpu.memory_space<vmem>>, %arg6: memref<128x128xf32, #tpu.memory_space<vmem>>, %arg7: memref<32x128xf32, #tpu.memory_space<vmem>>, %arg8: memref<!tpu.dma_semaphore, #tpu.memory_space<semaphore_mem>>) attributes {dimension_semantics = [#tpu.dimension_semantics<core_parallel>, #tpu.dimension_semantics<subcore_parallel>], iteration_bounds = array<i64: 2, 16>, scalar_prefetch = 0 : i64, scratch_operands = 4 : i64, tpu.core_type = #tpu.core_type<sc_vector_subcore>, window_params = [{transform_indices = #map}, {transform_indices = #map1}, {transform_indices = #map}]} {
    %mul3A = arith.constant 2 : i32
    %mul3A_0 = arith.muli %arg1, %mul3A : i32
    %add3A = arith.addi %mul3A_0, %arg0 : i32
    %mul3A_1 = arith.constant 128 : i32
    %mul3A_2 = arith.muli %add3A, %mul3A_1 : i32
    "tpu.region"() ({
      %run_scoped3A = tpu.sem_alloc : memref<!tpu.dma_semaphore, #tpu.memory_space<semaphore_mem>>
      %dma_start3A_11 = tpu.memref_slice %arg3[%mul3A_2] : memref<4096xi32, #tpu.memory_space<hbm>> -> memref<128xi32, #tpu.memory_space<hbm>>
      %dma_start3A_12 = tpu.memref_slice %arg3[%mul3A_2] : memref<4096xi32, #tpu.memory_space<hbm>> -> memref<128xi32, #tpu.memory_space<hbm>>
      tpu.enqueue_dma source(%dma_start3A_12 : memref<128xi32, #tpu.memory_space<hbm>>) target(%arg5 : memref<128xi32, #tpu.memory_space<vmem>>) target_semaphore(%run_scoped3A : memref<!tpu.dma_semaphore, #tpu.memory_space<semaphore_mem>>)
      %dma_wait3A_13 = tpu.memref_slice %arg3[%mul3A_2] : memref<4096xi32, #tpu.memory_space<hbm>> -> memref<128xi32, #tpu.memory_space<hbm>>
      %dma_wait3A_14 = tpu.memref_slice %arg3[%mul3A_2] : memref<4096xi32, #tpu.memory_space<hbm>> -> memref<128xi32, #tpu.memory_space<hbm>>
      tpu.wait_dma2 semaphore(%run_scoped3A : memref<!tpu.dma_semaphore, #tpu.memory_space<semaphore_mem>>) src(%dma_wait3A_14 : memref<128xi32, #tpu.memory_space<hbm>>) dst(%arg5 : memref<128xi32, #tpu.memory_space<vmem>>)
      tpu.yield
    }) : () -> ()
    %dma_start3A = arith.constant 0 : i32
    %dma_start3A_3 = arith.constant 0 : i32
    %dma_start3A_4 = tpu.memref_slice %arg2[%dma_start3A, %dma_start3A_3] : memref<1024x128xf32, #tpu.memory_space<hbm>> -> memref<1024x128xf32, #tpu.memory_space<hbm>>
    tpu.enqueue_indirect_dma source(%dma_start3A_4 : memref<1024x128xf32, #tpu.memory_space<hbm>>) target(%arg6 : memref<128x128xf32, #tpu.memory_space<vmem>>) offsets(%arg5 : memref<128xi32, #tpu.memory_space<vmem>>) semaphore(%arg8 : memref<!tpu.dma_semaphore, #tpu.memory_space<semaphore_mem>>)
    %dma_wait3A = arith.constant 0 : i32
    %dma_wait3A_5 = arith.constant 0 : i32
    %dma_wait3A_6 = tpu.memref_slice %arg2[%dma_wait3A, %dma_wait3A_5] : memref<1024x128xf32, #tpu.memory_space<hbm>> -> memref<1024x128xf32, #tpu.memory_space<hbm>>
    tpu.wait_indirect_dma semaphore(%arg8 : memref<!tpu.dma_semaphore, #tpu.memory_space<semaphore_mem>>) src(%dma_wait3A_6 : memref<1024x128xf32, #tpu.memory_space<hbm>>) dst(%arg6 : memref<128x128xf32, #tpu.memory_space<vmem>>)
    %iota3A = tpu.iota {dimensions = array<i32: 0>} : vector<16xi32>
    %scan3A = arith.constant 0 : i32
    %scan3A_7 = arith.constant 8 : i32
    %scan3A_8 = arith.addi %scan3A, %scan3A_7 : i32
    %scan3A_9 = arith.constant 1 : i32
    scf.for %scan3A_11 = %scan3A to %scan3A_8 step %scan3A_9  : i32 {
      %mul3A_12 = arith.constant 16 : i32
      %mul3A_13 = arith.muli %scan3A_11, %mul3A_12 : i32
      %add3A_14 = vector.broadcast %mul3A_13 : i32 to vector<16xi32>
      %add3A_15 = arith.addi %iota3A, %add3A_14 : vector<16xi32>
      %broadcast_in_dim3A = arith.constant 0 : i32
      %broadcast_in_dim3A_16 = vector.broadcast %broadcast_in_dim3A : i32 to vector<16xi32>
      %gather3A = tpu.vector_load_idx %arg6[%add3A_15, %broadcast_in_dim3A_16] : memref<128x128xf32, #tpu.memory_space<vmem>>[vector<16xi32>, vector<16xi32>], vector<16xf32>,
      %mul3A_17 = arith.constant 16 : i32
      %mul3A_18 = arith.muli %scan3A_11, %mul3A_17 : i32
      %swap3A = arith.constant 0 : i32
      %swap3A_19 = arith.index_cast %swap3A : i32 to index
      %swap3A_20 = arith.index_cast %mul3A_18 : i32 to index
      %swap3A_21 = tpu.vector_load %arg7[%swap3A_19, %swap3A_20] {strides = array<i32>} : memref<32x128xf32, #tpu.memory_space<vmem>>, vector<16xf32>,
      tpu.vector_store %arg7[%swap3A_19, %swap3A_20], %gather3A {strides = array<i32>} : memref<32x128xf32, #tpu.memory_space<vmem>>, vector<16xf32>,
      %broadcast_in_dim3A_22 = arith.constant 1 : i32
      %broadcast_in_dim3A_23 = vector.broadcast %broadcast_in_dim3A_22 : i32 to vector<16xi32>
      %gather3A_24 = tpu.vector_load_idx %arg6[%add3A_15, %broadcast_in_dim3A_23] : memref<128x128xf32, #tpu.memory_space<vmem>>[vector<16xi32>, vector<16xi32>], vector<16xf32>,
      %mul3A_25 = arith.constant 16 : i32
      %mul3A_26 = arith.muli %scan3A_11, %mul3A_25 : i32
      %swap3A_27 = arith.constant 1 : i32
      %swap3A_28 = arith.index_cast %swap3A_27 : i32 to index
      %swap3A_29 = arith.index_cast %mul3A_26 : i32 to index
      %swap3A_30 = tpu.vector_load %arg7[%swap3A_28, %swap3A_29] {strides = array<i32>} : memref<32x128xf32, #tpu.memory_space<vmem>>, vector<16xf32>,
      tpu.vector_store %arg7[%swap3A_28, %swap3A_29], %gather3A_24 {strides = array<i32>} : memref<32x128xf32, #tpu.memory_space<vmem>>, vector<16xf32>,
      %broadcast_in_dim3A_31 = arith.constant 2 : i32
      %broadcast_in_dim3A_32 = vector.broadcast %broadcast_in_dim3A_31 : i32 to vector<16xi32>
      %gather3A_33 = tpu.vector_load_idx %arg6[%add3A_15, %broadcast_in_dim3A_32] : memref<128x128xf32, #tpu.memory_space<vmem>>[vector<16xi32>, vector<16xi32>], vector<16xf32>,
      %mul3A_34 = arith.constant 16 : i32
      %mul3A_35 = arith.muli %scan3A_11, %mul3A_34 : i32
      %swap3A_36 = arith.constant 2 : i32
      %swap3A_37 = arith.index_cast %swap3A_36 : i32 to index
      %swap3A_38 = arith.index_cast %mul3A_35 : i32 to index
      %swap3A_39 = tpu.vector_load %arg7[%swap3A_37, %swap3A_38] {strides = array<i32>} : memref<32x128xf32, #tpu.memory_space<vmem>>, vector<16xf32>,
      tpu.vector_store %arg7[%swap3A_37, %swap3A_38], %gather3A_33 {strides = array<i32>} : memref<32x128xf32, #tpu.memory_space<vmem>>, vector<16xf32>,
      %broadcast_in_dim3A_40 = arith.constant 3 : i32
      %broadcast_in_dim3A_41 = vector.broadcast %broadcast_in_dim3A_40 : i32 to vector<16xi32>
      %gather3A_42 = tpu.vector_load_idx %arg6[%add3A_15, %broadcast_in_dim3A_41] : memref<128x128xf32, #tpu.memory_space<vmem>>[vector<16xi32>, vector<16xi32>], vector<16xf32>,
      %mul3A_43 = arith.constant 16 : i32
      %mul3A_44 = arith.muli %scan3A_11, %mul3A_43 : i32
      %swap3A_45 = arith.constant 3 : i32
      %swap3A_46 = arith.index_cast %swap3A_45 : i32 to index
      %swap3A_47 = arith.index_cast %mul3A_44 : i32 to index
      %swap3A_48 = tpu.vector_load %arg7[%swap3A_46, %swap3A_47] {strides = array<i32>} : memref<32x128xf32, #tpu.memory_space<vmem>>, vector<16xf32>,
      tpu.vector_store %arg7[%swap3A_46, %swap3A_47], %gather3A_42 {strides = array<i32>} : memref<32x128xf32, #tpu.memory_space<vmem>>, vector<16xf32>,
      %broadcast_in_dim3A_49 = arith.constant 4 : i32
      %broadcast_in_dim3A_50 = vector.broadcast %broadcast_in_dim3A_49 : i32 to vector<16xi32>
      %gather3A_51 = tpu.vector_load_idx %arg6[%add3A_15, %broadcast_in_dim3A_50] : memref<128x128xf32, #tpu.memory_space<vmem>>[vector<16xi32>, vector<16xi32>], vector<16xf32>,
      %mul3A_52 = arith.constant 16 : i32
      %mul3A_53 = arith.muli %scan3A_11, %mul3A_52 : i32
      %swap3A_54 = arith.constant 4 : i32
      %swap3A_55 = arith.index_cast %swap3A_54 : i32 to index
      %swap3A_56 = arith.index_cast %mul3A_53 : i32 to index
      %swap3A_57 = tpu.vector_load %arg7[%swap3A_55, %swap3A_56] {strides = array<i32>} : memref<32x128xf32, #tpu.memory_space<vmem>>, vector<16xf32>,
      tpu.vector_store %arg7[%swap3A_55, %swap3A_56], %gather3A_51 {strides = array<i32>} : memref<32x128xf32, #tpu.memory_space<vmem>>, vector<16xf32>,
      %broadcast_in_dim3A_58 = arith.constant 5 : i32
      %broadcast_in_dim3A_59 = vector.broadcast %broadcast_in_dim3A_58 : i32 to vector<16xi32>
      %gather3A_60 = tpu.vector_load_idx %arg6[%add3A_15, %broadcast_in_dim3A_59] : memref<128x128xf32, #tpu.memory_space<vmem>>[vector<16xi32>, vector<16xi32>], vector<16xf32>,
      %mul3A_61 = arith.constant 16 : i32
      %mul3A_62 = arith.muli %scan3A_11, %mul3A_61 : i32
      %swap3A_63 = arith.constant 5 : i32
      %swap3A_64 = arith.index_cast %swap3A_63 : i32 to index
      %swap3A_65 = arith.index_cast %mul3A_62 : i32 to index
      %swap3A_66 = tpu.vector_load %arg7[%swap3A_64, %swap3A_65] {strides = array<i32>} : memref<32x128xf32, #tpu.memory_space<vmem>>, vector<16xf32>,
      tpu.vector_store %arg7[%swap3A_64, %swap3A_65], %gather3A_60 {strides = array<i32>} : memref<32x128xf32, #tpu.memory_space<vmem>>, vector<16xf32>,
      %broadcast_in_dim3A_67 = arith.constant 6 : i32
      %broadcast_in_dim3A_68 = vector.broadcast %broadcast_in_dim3A_67 : i32 to vector<16xi32>
      %gather3A_69 = tpu.vector_load_idx %arg6[%add3A_15, %broadcast_in_dim3A_68] : memref<128x128xf32, #tpu.memory_space<vmem>>[vector<16xi32>, vector<16xi32>], vector<16xf32>,
      %mul3A_70 = arith.constant 16 : i32
      %mul3A_71 = arith.muli %scan3A_11, %mul3A_70 : i32
      %swap3A_72 = arith.constant 6 : i32
      %swap3A_73 = arith.index_cast %swap3A_72 : i32 to index
      %swap3A_74 = arith.index_cast %mul3A_71 : i32 to index
      %swap3A_75 = tpu.vector_load %arg7[%swap3A_73, %swap3A_74] {strides = array<i32>} : memref<32x128xf32, #tpu.memory_space<vmem>>, vector<16xf32>,
      tpu.vector_store %arg7[%swap3A_73, %swap3A_74], %gather3A_69 {strides = array<i32>} : memref<32x128xf32, #tpu.memory_space<vmem>>, vector<16xf32>,
      %broadcast_in_dim3A_76 = arith.constant 7 : i32
      %broadcast_in_dim3A_77 = vector.broadcast %broadcast_in_dim3A_76 : i32 to vector<16xi32>
      %gather3A_78 = tpu.vector_load_idx %arg6[%add3A_15, %broadcast_in_dim3A_77] : memref<128x128xf32, #tpu.memory_space<vmem>>[vector<16xi32>, vector<16xi32>], vector<16xf32>,
      %mul3A_79 = arith.constant 16 : i32
      %mul3A_80 = arith.muli %scan3A_11, %mul3A_79 : i32
      %swap3A_81 = arith.constant 7 : i32
      %swap3A_82 = arith.index_cast %swap3A_81 : i32 to index
      %swap3A_83 = arith.index_cast %mul3A_80 : i32 to index
      %swap3A_84 = tpu.vector_load %arg7[%swap3A_82, %swap3A_83] {strides = array<i32>} : memref<32x128xf32, #tpu.memory_space<vmem>>, vector<16xf32>,
      tpu.vector_store %arg7[%swap3A_82, %swap3A_83], %gather3A_78 {strides = array<i32>} : memref<32x128xf32, #tpu.memory_space<vmem>>, vector<16xf32>,
      %broadcast_in_dim3A_85 = arith.constant 8 : i32
      %broadcast_in_dim3A_86 = vector.broadcast %broadcast_in_dim3A_85 : i32 to vector<16xi32>
      %gather3A_87 = tpu.vector_load_idx %arg6[%add3A_15, %broadcast_in_dim3A_86] : memref<128x128xf32, #tpu.memory_space<vmem>>[vector<16xi32>, vector<16xi32>], vector<16xf32>,
      %mul3A_88 = arith.constant 16 : i32
      %mul3A_89 = arith.muli %scan3A_11, %mul3A_88 : i32
      %swap3A_90 = arith.constant 8 : i32
      %swap3A_91 = arith.index_cast %swap3A_90 : i32 to index
      %swap3A_92 = arith.index_cast %mul3A_89 : i32 to index
      %swap3A_93 = tpu.vector_load %arg7[%swap3A_91, %swap3A_92] {strides = array<i32>} : memref<32x128xf32, #tpu.memory_space<vmem>>, vector<16xf32>,
      tpu.vector_store %arg7[%swap3A_91, %swap3A_92], %gather3A_87 {strides = array<i32>} : memref<32x128xf32, #tpu.memory_space<vmem>>, vector<16xf32>,
      %broadcast_in_dim3A_94 = arith.constant 9 : i32
      %broadcast_in_dim3A_95 = vector.broadcast %broadcast_in_dim3A_94 : i32 to vector<16xi32>
      %gather3A_96 = tpu.vector_load_idx %arg6[%add3A_15, %broadcast_in_dim3A_95] : memref<128x128xf32, #tpu.memory_space<vmem>>[vector<16xi32>, vector<16xi32>], vector<16xf32>,
      %mul3A_97 = arith.constant 16 : i32
      %mul3A_98 = arith.muli %scan3A_11, %mul3A_97 : i32
      %swap3A_99 = arith.constant 9 : i32
      %swap3A_100 = arith.index_cast %swap3A_99 : i32 to index
      %swap3A_101 = arith.index_cast %mul3A_98 : i32 to index
      %swap3A_102 = tpu.vector_load %arg7[%swap3A_100, %swap3A_101] {strides = array<i32>} : memref<32x128xf32, #tpu.memory_space<vmem>>, vector<16xf32>,
      tpu.vector_store %arg7[%swap3A_100, %swap3A_101], %gather3A_96 {strides = array<i32>} : memref<32x128xf32, #tpu.memory_space<vmem>>, vector<16xf32>,
      %broadcast_in_dim3A_103 = arith.constant 10 : i32
      %broadcast_in_dim3A_104 = vector.broadcast %broadcast_in_dim3A_103 : i32 to vector<16xi32>
      %gather3A_105 = tpu.vector_load_idx %arg6[%add3A_15, %broadcast_in_dim3A_104] : memref<128x128xf32, #tpu.memory_space<vmem>>[vector<16xi32>, vector<16xi32>], vector<16xf32>,
      %mul3A_106 = arith.constant 16 : i32
      %mul3A_107 = arith.muli %scan3A_11, %mul3A_106 : i32
      %swap3A_108 = arith.constant 10 : i32
      %swap3A_109 = arith.index_cast %swap3A_108 : i32 to index
      %swap3A_110 = arith.index_cast %mul3A_107 : i32 to index
      %swap3A_111 = tpu.vector_load %arg7[%swap3A_109, %swap3A_110] {strides = array<i32>} : memref<32x128xf32, #tpu.memory_space<vmem>>, vector<16xf32>,
      tpu.vector_store %arg7[%swap3A_109, %swap3A_110], %gather3A_105 {strides = array<i32>} : memref<32x128xf32, #tpu.memory_space<vmem>>, vector<16xf32>,
      %broadcast_in_dim3A_112 = arith.constant 11 : i32
      %broadcast_in_dim3A_113 = vector.broadcast %broadcast_in_dim3A_112 : i32 to vector<16xi32>
      %gather3A_114 = tpu.vector_load_idx %arg6[%add3A_15, %broadcast_in_dim3A_113] : memref<128x128xf32, #tpu.memory_space<vmem>>[vector<16xi32>, vector<16xi32>], vector<16xf32>,
      %mul3A_115 = arith.constant 16 : i32
      %mul3A_116 = arith.muli %scan3A_11, %mul3A_115 : i32
      %swap3A_117 = arith.constant 11 : i32
      %swap3A_118 = arith.index_cast %swap3A_117 : i32 to index
      %swap3A_119 = arith.index_cast %mul3A_116 : i32 to index
      %swap3A_120 = tpu.vector_load %arg7[%swap3A_118, %swap3A_119] {strides = array<i32>} : memref<32x128xf32, #tpu.memory_space<vmem>>, vector<16xf32>,
      tpu.vector_store %arg7[%swap3A_118, %swap3A_119], %gather3A_114 {strides = array<i32>} : memref<32x128xf32, #tpu.memory_space<vmem>>, vector<16xf32>,
      %broadcast_in_dim3A_121 = arith.constant 12 : i32
      %broadcast_in_dim3A_122 = vector.broadcast %broadcast_in_dim3A_121 : i32 to vector<16xi32>
      %gather3A_123 = tpu.vector_load_idx %arg6[%add3A_15, %broadcast_in_dim3A_122] : memref<128x128xf32, #tpu.memory_space<vmem>>[vector<16xi32>, vector<16xi32>], vector<16xf32>,
      %mul3A_124 = arith.constant 16 : i32
      %mul3A_125 = arith.muli %scan3A_11, %mul3A_124 : i32
      %swap3A_126 = arith.constant 12 : i32
      %swap3A_127 = arith.index_cast %swap3A_126 : i32 to index
      %swap3A_128 = arith.index_cast %mul3A_125 : i32 to index
      %swap3A_129 = tpu.vector_load %arg7[%swap3A_127, %swap3A_128] {strides = array<i32>} : memref<32x128xf32, #tpu.memory_space<vmem>>, vector<16xf32>,
      tpu.vector_store %arg7[%swap3A_127, %swap3A_128], %gather3A_123 {strides = array<i32>} : memref<32x128xf32, #tpu.memory_space<vmem>>, vector<16xf32>,
      %broadcast_in_dim3A_130 = arith.constant 13 : i32
      %broadcast_in_dim3A_131 = vector.broadcast %broadcast_in_dim3A_130 : i32 to vector<16xi32>
      %gather3A_132 = tpu.vector_load_idx %arg6[%add3A_15, %broadcast_in_dim3A_131] : memref<128x128xf32, #tpu.memory_space<vmem>>[vector<16xi32>, vector<16xi32>], vector<16xf32>,
      %mul3A_133 = arith.constant 16 : i32
      %mul3A_134 = arith.muli %scan3A_11, %mul3A_133 : i32
      %swap3A_135 = arith.constant 13 : i32
      %swap3A_136 = arith.index_cast %swap3A_135 : i32 to index
      %swap3A_137 = arith.index_cast %mul3A_134 : i32 to index
      %swap3A_138 = tpu.vector_load %arg7[%swap3A_136, %swap3A_137] {strides = array<i32>} : memref<32x128xf32, #tpu.memory_space<vmem>>, vector<16xf32>,
      tpu.vector_store %arg7[%swap3A_136, %swap3A_137], %gather3A_132 {strides = array<i32>} : memref<32x128xf32, #tpu.memory_space<vmem>>, vector<16xf32>,
      %broadcast_in_dim3A_139 = arith.constant 14 : i32
      %broadcast_in_dim3A_140 = vector.broadcast %broadcast_in_dim3A_139 : i32 to vector<16xi32>
      %gather3A_141 = tpu.vector_load_idx %arg6[%add3A_15, %broadcast_in_dim3A_140] : memref<128x128xf32, #tpu.memory_space<vmem>>[vector<16xi32>, vector<16xi32>], vector<16xf32>,
      %mul3A_142 = arith.constant 16 : i32
      %mul3A_143 = arith.muli %scan3A_11, %mul3A_142 : i32
      %swap3A_144 = arith.constant 14 : i32
      %swap3A_145 = arith.index_cast %swap3A_144 : i32 to index
      %swap3A_146 = arith.index_cast %mul3A_143 : i32 to index
      %swap3A_147 = tpu.vector_load %arg7[%swap3A_145, %swap3A_146] {strides = array<i32>} : memref<32x128xf32, #tpu.memory_space<vmem>>, vector<16xf32>,
      tpu.vector_store %arg7[%swap3A_145, %swap3A_146], %gather3A_141 {strides = array<i32>} : memref<32x128xf32, #tpu.memory_space<vmem>>, vector<16xf32>,
      %broadcast_in_dim3A_148 = arith.constant 15 : i32
      %broadcast_in_dim3A_149 = vector.broadcast %broadcast_in_dim3A_148 : i32 to vector<16xi32>
      %gather3A_150 = tpu.vector_load_idx %arg6[%add3A_15, %broadcast_in_dim3A_149] : memref<128x128xf32, #tpu.memory_space<vmem>>[vector<16xi32>, vector<16xi32>], vector<16xf32>,
      %mul3A_151 = arith.constant 16 : i32
      %mul3A_152 = arith.muli %scan3A_11, %mul3A_151 : i32
      %swap3A_153 = arith.constant 15 : i32
      %swap3A_154 = arith.index_cast %swap3A_153 : i32 to index
      %swap3A_155 = arith.index_cast %mul3A_152 : i32 to index
      %swap3A_156 = tpu.vector_load %arg7[%swap3A_154, %swap3A_155] {strides = array<i32>} : memref<32x128xf32, #tpu.memory_space<vmem>>, vector<16xf32>,
      tpu.vector_store %arg7[%swap3A_154, %swap3A_155], %gather3A_150 {strides = array<i32>} : memref<32x128xf32, #tpu.memory_space<vmem>>, vector<16xf32>,
      %broadcast_in_dim3A_157 = arith.constant 16 : i32
      %broadcast_in_dim3A_158 = vector.broadcast %broadcast_in_dim3A_157 : i32 to vector<16xi32>
      %gather3A_159 = tpu.vector_load_idx %arg6[%add3A_15, %broadcast_in_dim3A_158] : memref<128x128xf32, #tpu.memory_space<vmem>>[vector<16xi32>, vector<16xi32>], vector<16xf32>,
      %mul3A_160 = arith.constant 16 : i32
      %mul3A_161 = arith.muli %scan3A_11, %mul3A_160 : i32
      %swap3A_162 = arith.constant 16 : i32
      %swap3A_163 = arith.index_cast %swap3A_162 : i32 to index
      %swap3A_164 = arith.index_cast %mul3A_161 : i32 to index
      %swap3A_165 = tpu.vector_load %arg7[%swap3A_163, %swap3A_164] {strides = array<i32>} : memref<32x128xf32, #tpu.memory_space<vmem>>, vector<16xf32>,
      tpu.vector_store %arg7[%swap3A_163, %swap3A_164], %gather3A_159 {strides = array<i32>} : memref<32x128xf32, #tpu.memory_space<vmem>>, vector<16xf32>,
      %broadcast_in_dim3A_166 = arith.constant 17 : i32
      %broadcast_in_dim3A_167 = vector.broadcast %broadcast_in_dim3A_166 : i32 to vector<16xi32>
      %gather3A_168 = tpu.vector_load_idx %arg6[%add3A_15, %broadcast_in_dim3A_167] : memref<128x128xf32, #tpu.memory_space<vmem>>[vector<16xi32>, vector<16xi32>], vector<16xf32>,
      %mul3A_169 = arith.constant 16 : i32
      %mul3A_170 = arith.muli %scan3A_11, %mul3A_169 : i32
      %swap3A_171 = arith.constant 17 : i32
      %swap3A_172 = arith.index_cast %swap3A_171 : i32 to index
      %swap3A_173 = arith.index_cast %mul3A_170 : i32 to index
      %swap3A_174 = tpu.vector_load %arg7[%swap3A_172, %swap3A_173] {strides = array<i32>} : memref<32x128xf32, #tpu.memory_space<vmem>>, vector<16xf32>,
      tpu.vector_store %arg7[%swap3A_172, %swap3A_173], %gather3A_168 {strides = array<i32>} : memref<32x128xf32, #tpu.memory_space<vmem>>, vector<16xf32>,
      %broadcast_in_dim3A_175 = arith.constant 18 : i32
      %broadcast_in_dim3A_176 = vector.broadcast %broadcast_in_dim3A_175 : i32 to vector<16xi32>
      %gather3A_177 = tpu.vector_load_idx %arg6[%add3A_15, %broadcast_in_dim3A_176] : memref<128x128xf32, #tpu.memory_space<vmem>>[vector<16xi32>, vector<16xi32>], vector<16xf32>,
      %mul3A_178 = arith.constant 16 : i32
      %mul3A_179 = arith.muli %scan3A_11, %mul3A_178 : i32
      %swap3A_180 = arith.constant 18 : i32
      %swap3A_181 = arith.index_cast %swap3A_180 : i32 to index
      %swap3A_182 = arith.index_cast %mul3A_179 : i32 to index
      %swap3A_183 = tpu.vector_load %arg7[%swap3A_181, %swap3A_182] {strides = array<i32>} : memref<32x128xf32, #tpu.memory_space<vmem>>, vector<16xf32>,
      tpu.vector_store %arg7[%swap3A_181, %swap3A_182], %gather3A_177 {strides = array<i32>} : memref<32x128xf32, #tpu.memory_space<vmem>>, vector<16xf32>,
      %broadcast_in_dim3A_184 = arith.constant 19 : i32
      %broadcast_in_dim3A_185 = vector.broadcast %broadcast_in_dim3A_184 : i32 to vector<16xi32>
      %gather3A_186 = tpu.vector_load_idx %arg6[%add3A_15, %broadcast_in_dim3A_185] : memref<128x128xf32, #tpu.memory_space<vmem>>[vector<16xi32>, vector<16xi32>], vector<16xf32>,
      %mul3A_187 = arith.constant 16 : i32
      %mul3A_188 = arith.muli %scan3A_11, %mul3A_187 : i32
      %swap3A_189 = arith.constant 19 : i32
      %swap3A_190 = arith.index_cast %swap3A_189 : i32 to index
      %swap3A_191 = arith.index_cast %mul3A_188 : i32 to index
      %swap3A_192 = tpu.vector_load %arg7[%swap3A_190, %swap3A_191] {strides = array<i32>} : memref<32x128xf32, #tpu.memory_space<vmem>>, vector<16xf32>,
      tpu.vector_store %arg7[%swap3A_190, %swap3A_191], %gather3A_186 {strides = array<i32>} : memref<32x128xf32, #tpu.memory_space<vmem>>, vector<16xf32>,
      %broadcast_in_dim3A_193 = arith.constant 20 : i32
      %broadcast_in_dim3A_194 = vector.broadcast %broadcast_in_dim3A_193 : i32 to vector<16xi32>
      %gather3A_195 = tpu.vector_load_idx %arg6[%add3A_15, %broadcast_in_dim3A_194] : memref<128x128xf32, #tpu.memory_space<vmem>>[vector<16xi32>, vector<16xi32>], vector<16xf32>,
      %mul3A_196 = arith.constant 16 : i32
      %mul3A_197 = arith.muli %scan3A_11, %mul3A_196 : i32
      %swap3A_198 = arith.constant 20 : i32
      %swap3A_199 = arith.index_cast %swap3A_198 : i32 to index
      %swap3A_200 = arith.index_cast %mul3A_197 : i32 to index
      %swap3A_201 = tpu.vector_load %arg7[%swap3A_199, %swap3A_200] {strides = array<i32>} : memref<32x128xf32, #tpu.memory_space<vmem>>, vector<16xf32>,
      tpu.vector_store %arg7[%swap3A_199, %swap3A_200], %gather3A_195 {strides = array<i32>} : memref<32x128xf32, #tpu.memory_space<vmem>>, vector<16xf32>,
      %broadcast_in_dim3A_202 = arith.constant 21 : i32
      %broadcast_in_dim3A_203 = vector.broadcast %broadcast_in_dim3A_202 : i32 to vector<16xi32>
      %gather3A_204 = tpu.vector_load_idx %arg6[%add3A_15, %broadcast_in_dim3A_203] : memref<128x128xf32, #tpu.memory_space<vmem>>[vector<16xi32>, vector<16xi32>], vector<16xf32>,
      %mul3A_205 = arith.constant 16 : i32
      %mul3A_206 = arith.muli %scan3A_11, %mul3A_205 : i32
      %swap3A_207 = arith.constant 21 : i32
      %swap3A_208 = arith.index_cast %swap3A_207 : i32 to index
      %swap3A_209 = arith.index_cast %mul3A_206 : i32 to index
      %swap3A_210 = tpu.vector_load %arg7[%swap3A_208, %swap3A_209] {strides = array<i32>} : memref<32x128xf32, #tpu.memory_space<vmem>>, vector<16xf32>,
      tpu.vector_store %arg7[%swap3A_208, %swap3A_209], %gather3A_204 {strides = array<i32>} : memref<32x128xf32, #tpu.memory_space<vmem>>, vector<16xf32>,
      %broadcast_in_dim3A_211 = arith.constant 22 : i32
      %broadcast_in_dim3A_212 = vector.broadcast %broadcast_in_dim3A_211 : i32 to vector<16xi32>
      %gather3A_213 = tpu.vector_load_idx %arg6[%add3A_15, %broadcast_in_dim3A_212] : memref<128x128xf32, #tpu.memory_space<vmem>>[vector<16xi32>, vector<16xi32>], vector<16xf32>,
      %mul3A_214 = arith.constant 16 : i32
      %mul3A_215 = arith.muli %scan3A_11, %mul3A_214 : i32
      %swap3A_216 = arith.constant 22 : i32
      %swap3A_217 = arith.index_cast %swap3A_216 : i32 to index
      %swap3A_218 = arith.index_cast %mul3A_215 : i32 to index
      %swap3A_219 = tpu.vector_load %arg7[%swap3A_217, %swap3A_218] {strides = array<i32>} : memref<32x128xf32, #tpu.memory_space<vmem>>, vector<16xf32>,
      tpu.vector_store %arg7[%swap3A_217, %swap3A_218], %gather3A_213 {strides = array<i32>} : memref<32x128xf32, #tpu.memory_space<vmem>>, vector<16xf32>,
      %broadcast_in_dim3A_220 = arith.constant 23 : i32
      %broadcast_in_dim3A_221 = vector.broadcast %broadcast_in_dim3A_220 : i32 to vector<16xi32>
      %gather3A_222 = tpu.vector_load_idx %arg6[%add3A_15, %broadcast_in_dim3A_221] : memref<128x128xf32, #tpu.memory_space<vmem>>[vector<16xi32>, vector<16xi32>], vector<16xf32>,
      %mul3A_223 = arith.constant 16 : i32
      %mul3A_224 = arith.muli %scan3A_11, %mul3A_223 : i32
      %swap3A_225 = arith.constant 23 : i32
      %swap3A_226 = arith.index_cast %swap3A_225 : i32 to index
      %swap3A_227 = arith.index_cast %mul3A_224 : i32 to index
      %swap3A_228 = tpu.vector_load %arg7[%swap3A_226, %swap3A_227] {strides = array<i32>} : memref<32x128xf32, #tpu.memory_space<vmem>>, vector<16xf32>,
      tpu.vector_store %arg7[%swap3A_226, %swap3A_227], %gather3A_222 {strides = array<i32>} : memref<32x128xf32, #tpu.memory_space<vmem>>, vector<16xf32>,
      %broadcast_in_dim3A_229 = arith.constant 24 : i32
      %broadcast_in_dim3A_230 = vector.broadcast %broadcast_in_dim3A_229 : i32 to vector<16xi32>
      %gather3A_231 = tpu.vector_load_idx %arg6[%add3A_15, %broadcast_in_dim3A_230] : memref<128x128xf32, #tpu.memory_space<vmem>>[vector<16xi32>, vector<16xi32>], vector<16xf32>,
      %mul3A_232 = arith.constant 16 : i32
      %mul3A_233 = arith.muli %scan3A_11, %mul3A_232 : i32
      %swap3A_234 = arith.constant 24 : i32
      %swap3A_235 = arith.index_cast %swap3A_234 : i32 to index
      %swap3A_236 = arith.index_cast %mul3A_233 : i32 to index
      %swap3A_237 = tpu.vector_load %arg7[%swap3A_235, %swap3A_236] {strides = array<i32>} : memref<32x128xf32, #tpu.memory_space<vmem>>, vector<16xf32>,
      tpu.vector_store %arg7[%swap3A_235, %swap3A_236], %gather3A_231 {strides = array<i32>} : memref<32x128xf32, #tpu.memory_space<vmem>>, vector<16xf32>,
      %broadcast_in_dim3A_238 = arith.constant 25 : i32
      %broadcast_in_dim3A_239 = vector.broadcast %broadcast_in_dim3A_238 : i32 to vector<16xi32>
      %gather3A_240 = tpu.vector_load_idx %arg6[%add3A_15, %broadcast_in_dim3A_239] : memref<128x128xf32, #tpu.memory_space<vmem>>[vector<16xi32>, vector<16xi32>], vector<16xf32>,
      %mul3A_241 = arith.constant 16 : i32
      %mul3A_242 = arith.muli %scan3A_11, %mul3A_241 : i32
      %swap3A_243 = arith.constant 25 : i32
      %swap3A_244 = arith.index_cast %swap3A_243 : i32 to index
      %swap3A_245 = arith.index_cast %mul3A_242 : i32 to index
      %swap3A_246 = tpu.vector_load %arg7[%swap3A_244, %swap3A_245] {strides = array<i32>} : memref<32x128xf32, #tpu.memory_space<vmem>>, vector<16xf32>,
      tpu.vector_store %arg7[%swap3A_244, %swap3A_245], %gather3A_240 {strides = array<i32>} : memref<32x128xf32, #tpu.memory_space<vmem>>, vector<16xf32>,
      %broadcast_in_dim3A_247 = arith.constant 26 : i32
      %broadcast_in_dim3A_248 = vector.broadcast %broadcast_in_dim3A_247 : i32 to vector<16xi32>
      %gather3A_249 = tpu.vector_load_idx %arg6[%add3A_15, %broadcast_in_dim3A_248] : memref<128x128xf32, #tpu.memory_space<vmem>>[vector<16xi32>, vector<16xi32>], vector<16xf32>,
      %mul3A_250 = arith.constant 16 : i32
      %mul3A_251 = arith.muli %scan3A_11, %mul3A_250 : i32
      %swap3A_252 = arith.constant 26 : i32
      %swap3A_253 = arith.index_cast %swap3A_252 : i32 to index
      %swap3A_254 = arith.index_cast %mul3A_251 : i32 to index
      %swap3A_255 = tpu.vector_load %arg7[%swap3A_253, %swap3A_254] {strides = array<i32>} : memref<32x128xf32, #tpu.memory_space<vmem>>, vector<16xf32>,
      tpu.vector_store %arg7[%swap3A_253, %swap3A_254], %gather3A_249 {strides = array<i32>} : memref<32x128xf32, #tpu.memory_space<vmem>>, vector<16xf32>,
      %broadcast_in_dim3A_256 = arith.constant 27 : i32
      %broadcast_in_dim3A_257 = vector.broadcast %broadcast_in_dim3A_256 : i32 to vector<16xi32>
      %gather3A_258 = tpu.vector_load_idx %arg6[%add3A_15, %broadcast_in_dim3A_257] : memref<128x128xf32, #tpu.memory_space<vmem>>[vector<16xi32>, vector<16xi32>], vector<16xf32>,
      %mul3A_259 = arith.constant 16 : i32
      %mul3A_260 = arith.muli %scan3A_11, %mul3A_259 : i32
      %swap3A_261 = arith.constant 27 : i32
      %swap3A_262 = arith.index_cast %swap3A_261 : i32 to index
      %swap3A_263 = arith.index_cast %mul3A_260 : i32 to index
      %swap3A_264 = tpu.vector_load %arg7[%swap3A_262, %swap3A_263] {strides = array<i32>} : memref<32x128xf32, #tpu.memory_space<vmem>>, vector<16xf32>,
      tpu.vector_store %arg7[%swap3A_262, %swap3A_263], %gather3A_258 {strides = array<i32>} : memref<32x128xf32, #tpu.memory_space<vmem>>, vector<16xf32>,
      %broadcast_in_dim3A_265 = arith.constant 28 : i32
      %broadcast_in_dim3A_266 = vector.broadcast %broadcast_in_dim3A_265 : i32 to vector<16xi32>
      %gather3A_267 = tpu.vector_load_idx %arg6[%add3A_15, %broadcast_in_dim3A_266] : memref<128x128xf32, #tpu.memory_space<vmem>>[vector<16xi32>, vector<16xi32>], vector<16xf32>,
      %mul3A_268 = arith.constant 16 : i32
      %mul3A_269 = arith.muli %scan3A_11, %mul3A_268 : i32
      %swap3A_270 = arith.constant 28 : i32
      %swap3A_271 = arith.index_cast %swap3A_270 : i32 to index
      %swap3A_272 = arith.index_cast %mul3A_269 : i32 to index
      %swap3A_273 = tpu.vector_load %arg7[%swap3A_271, %swap3A_272] {strides = array<i32>} : memref<32x128xf32, #tpu.memory_space<vmem>>, vector<16xf32>,
      tpu.vector_store %arg7[%swap3A_271, %swap3A_272], %gather3A_267 {strides = array<i32>} : memref<32x128xf32, #tpu.memory_space<vmem>>, vector<16xf32>,
      %broadcast_in_dim3A_274 = arith.constant 29 : i32
      %broadcast_in_dim3A_275 = vector.broadcast %broadcast_in_dim3A_274 : i32 to vector<16xi32>
      %gather3A_276 = tpu.vector_load_idx %arg6[%add3A_15, %broadcast_in_dim3A_275] : memref<128x128xf32, #tpu.memory_space<vmem>>[vector<16xi32>, vector<16xi32>], vector<16xf32>,
      %mul3A_277 = arith.constant 16 : i32
      %mul3A_278 = arith.muli %scan3A_11, %mul3A_277 : i32
      %swap3A_279 = arith.constant 29 : i32
      %swap3A_280 = arith.index_cast %swap3A_279 : i32 to index
      %swap3A_281 = arith.index_cast %mul3A_278 : i32 to index
      %swap3A_282 = tpu.vector_load %arg7[%swap3A_280, %swap3A_281] {strides = array<i32>} : memref<32x128xf32, #tpu.memory_space<vmem>>, vector<16xf32>,
      tpu.vector_store %arg7[%swap3A_280, %swap3A_281], %gather3A_276 {strides = array<i32>} : memref<32x128xf32, #tpu.memory_space<vmem>>, vector<16xf32>,
      %broadcast_in_dim3A_283 = arith.constant 30 : i32
      %broadcast_in_dim3A_284 = vector.broadcast %broadcast_in_dim3A_283 : i32 to vector<16xi32>
      %gather3A_285 = tpu.vector_load_idx %arg6[%add3A_15, %broadcast_in_dim3A_284] : memref<128x128xf32, #tpu.memory_space<vmem>>[vector<16xi32>, vector<16xi32>], vector<16xf32>,
      %mul3A_286 = arith.constant 16 : i32
      %mul3A_287 = arith.muli %scan3A_11, %mul3A_286 : i32
      %swap3A_288 = arith.constant 30 : i32
      %swap3A_289 = arith.index_cast %swap3A_288 : i32 to index
      %swap3A_290 = arith.index_cast %mul3A_287 : i32 to index
      %swap3A_291 = tpu.vector_load %arg7[%swap3A_289, %swap3A_290] {strides = array<i32>} : memref<32x128xf32, #tpu.memory_space<vmem>>, vector<16xf32>,
      tpu.vector_store %arg7[%swap3A_289, %swap3A_290], %gather3A_285 {strides = array<i32>} : memref<32x128xf32, #tpu.memory_space<vmem>>, vector<16xf32>,
      %broadcast_in_dim3A_292 = arith.constant 31 : i32
      %broadcast_in_dim3A_293 = vector.broadcast %broadcast_in_dim3A_292 : i32 to vector<16xi32>
      %gather3A_294 = tpu.vector_load_idx %arg6[%add3A_15, %broadcast_in_dim3A_293] : memref<128x128xf32, #tpu.memory_space<vmem>>[vector<16xi32>, vector<16xi32>], vector<16xf32>,
      %mul3A_295 = arith.constant 16 : i32
      %mul3A_296 = arith.muli %scan3A_11, %mul3A_295 : i32
      %swap3A_297 = arith.constant 31 : i32
      %swap3A_298 = arith.index_cast %swap3A_297 : i32 to index
      %swap3A_299 = arith.index_cast %mul3A_296 : i32 to index
      %swap3A_300 = tpu.vector_load %arg7[%swap3A_298, %swap3A_299] {strides = array<i32>} : memref<32x128xf32, #tpu.memory_space<vmem>>, vector<16xf32>,
      tpu.vector_store %arg7[%swap3A_298, %swap3A_299], %gather3A_294 {strides = array<i32>} : memref<32x128xf32, #tpu.memory_space<vmem>>, vector<16xf32>,
    }
    %scan3A_10 = arith.constant 8 : i32
    "tpu.region"() ({
      %run_scoped3A = tpu.sem_alloc : memref<!tpu.dma_semaphore, #tpu.memory_space<semaphore_mem>>
      %dma_start3A_11 = arith.constant 0 : i32
      %dma_start3A_12 = tpu.memref_slice %arg4[%dma_start3A_11, %mul3A_2] : memref<32x4096xf32, #tpu.memory_space<hbm>> -> memref<32x128xf32, #tpu.memory_space<hbm>>
      %dma_start3A_13 = arith.constant 0 : i32
      %dma_start3A_14 = tpu.memref_slice %arg4[%dma_start3A_13, %mul3A_2] : memref<32x4096xf32, #tpu.memory_space<hbm>> -> memref<32x128xf32, #tpu.memory_space<hbm>>
      tpu.enqueue_dma source(%arg7 : memref<32x128xf32, #tpu.memory_space<vmem>>) target(%dma_start3A_14 : memref<32x128xf32, #tpu.memory_space<hbm>>) target_semaphore(%run_scoped3A : memref<!tpu.dma_semaphore, #tpu.memory_space<semaphore_mem>>)
      %dma_wait3A_15 = arith.constant 0 : i32
      %dma_wait3A_16 = tpu.memref_slice %arg4[%dma_wait3A_15, %mul3A_2] : memref<32x4096xf32, #tpu.memory_space<hbm>> -> memref<32x128xf32, #tpu.memory_space<hbm>>
      %dma_wait3A_17 = arith.constant 0 : i32
      %dma_wait3A_18 = tpu.memref_slice %arg4[%dma_wait3A_17, %mul3A_2] : memref<32x4096xf32, #tpu.memory_space<hbm>> -> memref<32x128xf32, #tpu.memory_space<hbm>>
      tpu.wait_dma2 semaphore(%run_scoped3A : memref<!tpu.dma_semaphore, #tpu.memory_space<semaphore_mem>>) src(%arg7 : memref<32x128xf32, #tpu.memory_space<vmem>>) dst(%dma_wait3A_18 : memref<32x128xf32, #tpu.memory_space<hbm>>)
      tpu.yield
    }) : () -> ()
    return
  }
}

module attributes {stable_mosaic.version = 14 : i64} {
  func.func @_ent_body(%arg0: i32, %arg1: memref<32x2048xf32, #tpu.memory_space<vmem>>, %arg2: memref<32x1024xf32, #tpu.memory_space<vmem>>, %arg3: memref<2048xi32, #tpu.memory_space<vmem>>, %arg4: memref<1x1xf32, #tpu.memory_space<vmem>>, %arg5: memref<1024x1xf32, #tpu.memory_space<vmem>>, %arg6: memref<1x1xf32, #tpu.memory_space<smem>>) attributes {dimension_semantics = [#tpu.dimension_semantics<arbitrary>], iteration_bounds = array<i64: 2>, scalar_prefetch = 0 : i64, scratch_operands = 2 : i64, tpu.core_type = #tpu.core_type<tc>, window_params = [{transform_indices = @transform_0, window_bounds = array<i64: 32, 2048>}, {pipeline_mode = #tpu.pipeline_mode<synchronous>, transform_indices = @transform_1, window_bounds = array<i64: 32, 1024>}, {transform_indices = @transform_2, window_bounds = array<i64: 2048>}, {pipeline_mode = #tpu.pipeline_mode<synchronous>, transform_indices = @transform_3, window_bounds = array<i64: 1, 1>}]} {
    %eq3A = arith.constant 0 : i32
    %eq3A_0 = arith.cmpi eq, %arg0, %eq3A : i32
    %convert_element_type3A = arith.extui %eq3A_0 : i1 to i32
    %cond3A = arith.constant 0 : i32
    %cond3A_1 = arith.cmpi ne, %convert_element_type3A, %cond3A : i32
    scf.if %cond3A_1 {
      %broadcast_in_dim3A_72 = arith.constant 0.000000e+00 : f32
      %broadcast_in_dim3A_73 = vector.broadcast %broadcast_in_dim3A_72 : f32 to vector<1024x1xf32>
      %swap3A_74 = arith.constant 0 : index
      %swap3A_75 = arith.constant 0 : index
      %swap3A_76 = vector.load %arg5[%swap3A_74, %swap3A_75] : memref<1024x1xf32, #tpu.memory_space<vmem>>, vector<1024x1xf32>
      tpu.vector_store %arg5[%swap3A_74, %swap3A_75], %broadcast_in_dim3A_73 {strides = array<i32>} : memref<1024x1xf32, #tpu.memory_space<vmem>>, vector<1024x1xf32>,
      %swap3A_77 = arith.constant 0.000000e+00 : f32
      %swap3A_78 = arith.constant 0 : index
      %swap3A_79 = arith.constant 0 : index
      %swap3A_80 = memref.load %arg6[%swap3A_78, %swap3A_79] : memref<1x1xf32, #tpu.memory_space<smem>>
      memref.store %swap3A_77, %arg6[%swap3A_78, %swap3A_79] : memref<1x1xf32, #tpu.memory_space<smem>>
    } else {
    }
    %get3A = arith.constant 0 : index
    %get3A_2 = arith.constant 0 : index
    %get3A_3 = vector.load %arg1[%get3A, %get3A_2] : memref<32x2048xf32, #tpu.memory_space<vmem>>, vector<32x2048xf32>
    %get3A_4 = arith.constant 0 : index
    %get3A_5 = arith.constant 0 : index
    %get3A_6 = vector.load %arg2[%get3A_4, %get3A_5] : memref<32x1024xf32, #tpu.memory_space<vmem>>, vector<32x1024xf32>
    %get3A_7 = arith.constant 0 : index
    %get3A_8 = vector.load %arg3[%get3A_7] : memref<2048xi32, #tpu.memory_space<vmem>>, vector<2048xi32>
    %reshape3A = vector.shape_cast %get3A_8 : vector<2048xi32> to vector<1x2048xi32>
    %mul3A = arith.mulf %get3A_6, %get3A_6 : vector<32x1024xf32>
    %reduce_sum3A = arith.constant dense<0.000000e+00> : vector<1024xf32>
    %reduce_sum3A_9 = vector.multi_reduction <add>, %mul3A, %reduce_sum3A [0] : vector<32x1024xf32> to vector<1024xf32>
    %broadcast_in_dim3A = vector.shape_cast %reduce_sum3A_9 : vector<1024xf32> to vector<1x1024xf32>
    %mul3A_10 = arith.mulf %get3A_3, %get3A_3 : vector<32x2048xf32>
    %reduce_sum3A_11 = arith.constant dense<0.000000e+00> : vector<2048xf32>
    %reduce_sum3A_12 = vector.multi_reduction <add>, %mul3A_10, %reduce_sum3A_11 [0] : vector<32x2048xf32> to vector<2048xf32>
    %broadcast_in_dim3A_13 = vector.shape_cast %reduce_sum3A_12 : vector<2048xf32> to vector<1x2048xf32>
    %broadcast_in_dim3A_14 = arith.constant 1.000000e+00 : f32
    %broadcast_in_dim3A_15 = vector.broadcast %broadcast_in_dim3A_14 : f32 to vector<1x1024xf32>
    %broadcast_in_dim3A_16 = arith.constant 1.000000e+00 : f32
    %broadcast_in_dim3A_17 = vector.broadcast %broadcast_in_dim3A_16 : f32 to vector<1x2048xf32>
    %mul3A_18 = arith.constant -2.000000e+00 : f32
    %mul3A_19 = vector.broadcast %mul3A_18 : f32 to vector<32x1024xf32>
    %mul3A_20 = arith.mulf %get3A_6, %mul3A_19 : vector<32x1024xf32>
    %concatenate3A = tpu.concatenate %mul3A_20, %broadcast_in_dim3A, %broadcast_in_dim3A_15 in 0 : vector<32x1024xf32>, vector<1x1024xf32>, vector<1x1024xf32> -> vector<34x1024xf32>
    %concatenate3A_21 = tpu.concatenate %get3A_3, %broadcast_in_dim3A_17, %broadcast_in_dim3A_13 in 0 : vector<32x2048xf32>, vector<1x2048xf32>, vector<1x2048xf32> -> vector<34x2048xf32>
    %dot_general3A = arith.constant dense<0.000000e+00> : vector<1024x2048xf32>
    %dot_general3A_22 = tpu.matmul %concatenate3A, %concatenate3A_21, %dot_general3A {dimension_numbers = #tpu.dot_dimension_numbers<[0], [0], [1], [1], [0, 1, 1, 1], [], []>, transpose_lhs_hint = false} : vector<34x1024xf32>, vector<34x2048xf32>, vector<1024x2048xf32> -> vector<1024x2048xf32>
    %iota3A = tpu.iota {dimensions = array<i32: 0>} : vector<1024x2048xi32>
    %get3A_23 = arith.constant 0 : index
    %get3A_24 = arith.constant 0 : index
    %get3A_25 = memref.load %arg6[%get3A_23, %get3A_24] : memref<1x1xf32, #tpu.memory_space<smem>>
    %eq3A_26 = vector.broadcast %reshape3A : vector<1x2048xi32> to vector<1024x2048xi32>
    %eq3A_27 = arith.cmpi eq, %iota3A, %eq3A_26 : vector<1024x2048xi32>
    %jit3A = arith.constant 0.000000e+00 : f32
    %broadcast_in_dim3A_28 = vector.broadcast %jit3A : f32 to vector<1024x2048xf32>
    %select_n3A = arith.select %eq3A_27, %dot_general3A_22, %broadcast_in_dim3A_28 : vector<1024x2048xi1>, vector<1024x2048xf32>
    %reduce_sum3A_29 = vector.shape_cast %select_n3A : vector<1024x2048xf32> to vector<1x1024x2048xf32>
    %reduce_sum3A_30 = arith.constant dense<0.000000e+00> : vector<1xf32>
    %reduce_sum3A_31 = vector.multi_reduction <add>, %reduce_sum3A_29, %reduce_sum3A_30 [1, 2] : vector<1x1024x2048xf32> to vector<1xf32>
    %reduce_sum3A_32 = vector.shape_cast %reduce_sum3A_31 : vector<1xf32> to vector<1x1x1xf32>
    %reduce_sum3A_33 = vector.extract %reduce_sum3A_32[0, 0, 0] : f32 from vector<1x1x1xf32>
    %add3A = arith.addf %get3A_25, %reduce_sum3A_33 : f32
    %swap3A = arith.constant 0 : index
    %swap3A_34 = arith.constant 0 : index
    %swap3A_35 = memref.load %arg6[%swap3A, %swap3A_34] : memref<1x1xf32, #tpu.memory_space<smem>>
    memref.store %add3A, %arg6[%swap3A, %swap3A_34] : memref<1x1xf32, #tpu.memory_space<smem>>
    %neg3A = arith.constant 0.000000e+00 : f32
    %neg3A_36 = vector.broadcast %neg3A : f32 to vector<1024x2048xf32>
    %neg3A_37 = arith.subf %neg3A_36, %dot_general3A_22 : vector<1024x2048xf32>
    %exp3A = math.exp %neg3A_37 : vector<1024x2048xf32>
    %reduce_sum3A_38 = arith.constant dense<0.000000e+00> : vector<2048xf32>
    %reduce_sum3A_39 = vector.multi_reduction <add>, %exp3A, %reduce_sum3A_38 [0] : vector<1024x2048xf32> to vector<2048xf32>
    %broadcast_in_dim3A_40 = vector.shape_cast %reduce_sum3A_39 : vector<2048xf32> to vector<1x2048xf32>
    %add3A_41 = arith.constant 1.024000e-05 : f32
    %add3A_42 = vector.broadcast %add3A_41 : f32 to vector<1x2048xf32>
    %add3A_43 = arith.addf %broadcast_in_dim3A_40, %add3A_42 : vector<1x2048xf32>
    %div3A = arith.constant 1.000000e+00 : f32
    %div3A_44 = vector.broadcast %div3A : f32 to vector<1x2048xf32>
    %div3A_45 = arith.divf %div3A_44, %add3A_43 : vector<1x2048xf32>
    %get3A_46 = arith.constant 0 : index
    %get3A_47 = arith.constant 0 : index
    %get3A_48 = vector.load %arg5[%get3A_46, %get3A_47] : memref<1024x1xf32, #tpu.memory_space<vmem>>, vector<1024x1xf32>
    %mul3A_49 = vector.broadcast %div3A_45 : vector<1x2048xf32> to vector<1024x2048xf32>
    %mul3A_50 = arith.mulf %exp3A, %mul3A_49 : vector<1024x2048xf32>
    %reduce_sum3A_51 = arith.constant dense<0.000000e+00> : vector<1024xf32>
    %reduce_sum3A_52 = vector.multi_reduction <add>, %mul3A_50, %reduce_sum3A_51 [1] : vector<1024x2048xf32> to vector<1024xf32>
    %broadcast_in_dim3A_53 = vector.shape_cast %reduce_sum3A_52 : vector<1024xf32> to vector<1024x1xf32>
    %reduce_sum3A_54 = vector.shape_cast %div3A_45 : vector<1x2048xf32> to vector<1x1x2048xf32>
    %reduce_sum3A_55 = arith.constant dense<0.000000e+00> : vector<1xf32>
    %reduce_sum3A_56 = vector.multi_reduction <add>, %reduce_sum3A_54, %reduce_sum3A_55 [1, 2] : vector<1x1x2048xf32> to vector<1xf32>
    %reduce_sum3A_57 = vector.shape_cast %reduce_sum3A_56 : vector<1xf32> to vector<1x1x1xf32>
    %reduce_sum3A_58 = vector.extract %reduce_sum3A_57[0, 0, 0] : f32 from vector<1x1x1xf32>
    %mul3A_59 = arith.constant 9.99999993E-9 : f32
    %mul3A_60 = arith.mulf %mul3A_59, %reduce_sum3A_58 : f32
    %add3A_61 = vector.broadcast %mul3A_60 : f32 to vector<1024x1xf32>
    %add3A_62 = arith.addf %broadcast_in_dim3A_53, %add3A_61 : vector<1024x1xf32>
    %add3A_63 = arith.addf %get3A_48, %add3A_62 : vector<1024x1xf32>
    %swap3A_64 = arith.constant 0 : index
    %swap3A_65 = arith.constant 0 : index
    %swap3A_66 = vector.load %arg5[%swap3A_64, %swap3A_65] : memref<1024x1xf32, #tpu.memory_space<vmem>>, vector<1024x1xf32>
    tpu.vector_store %arg5[%swap3A_64, %swap3A_65], %add3A_63 {strides = array<i32>} : memref<1024x1xf32, #tpu.memory_space<vmem>>, vector<1024x1xf32>,
    %eq3A_67 = arith.constant 1 : i32
    %eq3A_68 = arith.cmpi eq, %arg0, %eq3A_67 : i32
    %convert_element_type3A_69 = arith.extui %eq3A_68 : i1 to i32
    %cond3A_70 = arith.constant 0 : i32
    %cond3A_71 = arith.cmpi ne, %convert_element_type3A_69, %cond3A_70 : i32
    scf.if %cond3A_71 {
      %get3A_72 = arith.constant 0 : index
      %get3A_73 = arith.constant 0 : index
      %get3A_74 = vector.load %arg5[%get3A_72, %get3A_73] : memref<1024x1xf32, #tpu.memory_space<vmem>>, vector<1024x1xf32>
      %div3A_75 = arith.constant 4.096000e+03 : f32
      %div3A_76 = vector.broadcast %div3A_75 : f32 to vector<1024x1xf32>
      %div3A_77 = arith.divf %get3A_74, %div3A_76 : vector<1024x1xf32>
      %log3A = math.log %div3A_77 : vector<1024x1xf32>
      %mul3A_78 = arith.mulf %div3A_77, %log3A : vector<1024x1xf32>
      %reduce_sum3A_79 = vector.shape_cast %mul3A_78 : vector<1024x1xf32> to vector<1x1024x1xf32>
      %reduce_sum3A_80 = arith.constant dense<0.000000e+00> : vector<1xf32>
      %reduce_sum3A_81 = vector.multi_reduction <add>, %reduce_sum3A_79, %reduce_sum3A_80 [1, 2] : vector<1x1024x1xf32> to vector<1xf32>
      %reduce_sum3A_82 = vector.shape_cast %reduce_sum3A_81 : vector<1xf32> to vector<1x1x1xf32>
      %reduce_sum3A_83 = vector.extract %reduce_sum3A_82[0, 0, 0] : f32 from vector<1x1x1xf32>
      %neg3A_84 = arith.constant 0.000000e+00 : f32
      %neg3A_85 = arith.subf %neg3A_84, %reduce_sum3A_83 : f32
      %get3A_86 = arith.constant 0 : index
      %get3A_87 = arith.constant 0 : index
      %get3A_88 = memref.load %arg6[%get3A_86, %get3A_87] : memref<1x1xf32, #tpu.memory_space<smem>>
      %div3A_89 = arith.constant 1.310720e+05 : f32
      %div3A_90 = arith.divf %get3A_88, %div3A_89 : f32
      %mul3A_91 = arith.constant 1.250000e+00 : f32
      %mul3A_92 = arith.mulf %mul3A_91, %div3A_90 : f32
      %add3A_93 = arith.addf %mul3A_92, %neg3A_85 : f32
      %broadcast_in_dim3A_94 = vector.broadcast %add3A_93 : f32 to vector<1x1xf32>
      %swap3A_95 = arith.constant 0 : index
      %swap3A_96 = arith.constant 0 : index
      %swap3A_97 = vector.load %arg4[%swap3A_95, %swap3A_96] : memref<1x1xf32, #tpu.memory_space<vmem>>, vector<1x1xf32>
      tpu.vector_store %arg4[%swap3A_95, %swap3A_96], %broadcast_in_dim3A_94 {strides = array<i32>} : memref<1x1xf32, #tpu.memory_space<vmem>>, vector<1x1xf32>,
    } else {
    }
    return
  }
  func.func @transform_0(%arg0: i32) -> (i32, i32) {
    %c0_i32 = arith.constant 0 : i32
    %c0_i32_0 = arith.constant 0 : i32
    return %c0_i32, %arg0 : i32, i32
  }
  func.func @transform_1(%arg0: i32) -> (i32, i32) {
    %c0_i32 = arith.constant 0 : i32
    %c0_i32_0 = arith.constant 0 : i32
    %c0_i32_1 = arith.constant 0 : i32
    return %c0_i32, %c0_i32_0 : i32, i32
  }
  func.func @transform_2(%arg0: i32) -> i32 {
    %c0_i32 = arith.constant 0 : i32
    return %arg0 : i32
  }
  func.func @transform_3(%arg0: i32) -> (i32, i32) {
    %c0_i32 = arith.constant 0 : i32
    %c0_i32_0 = arith.constant 0 : i32
    %c0_i32_1 = arith.constant 0 : i32
    return %c0_i32, %c0_i32_0 : i32, i32
  }
}

module attributes {stable_mosaic.version = 14 : i64} {
  func.func @_argmin_body(%arg0: i32, %arg1: memref<32x2048xf32, #tpu.memory_space<vmem>>, %arg2: memref<32x1024xf32, #tpu.memory_space<vmem>>, %arg3: memref<2048xi32, #tpu.memory_space<vmem>>, %arg4: memref<1024x128xf32, #tpu.memory_space<vmem>>) attributes {dimension_semantics = [#tpu.dimension_semantics<arbitrary>], iteration_bounds = array<i64: 2>, scalar_prefetch = 0 : i64, scratch_operands = 0 : i64, tpu.core_type = #tpu.core_type<tc>, window_params = [{transform_indices = @transform_0, window_bounds = array<i64: 32, 2048>}, {pipeline_mode = #tpu.pipeline_mode<synchronous>, transform_indices = @transform_1, window_bounds = array<i64: 32, 1024>}, {transform_indices = @transform_2, window_bounds = array<i64: 2048>}, {pipeline_mode = #tpu.pipeline_mode<synchronous>, transform_indices = @transform_3, window_bounds = array<i64: 1024, 128>}]} {
    %get3A = arith.constant 0 : index
    %get3A_0 = arith.constant 0 : index
    %get3A_1 = vector.load %arg1[%get3A, %get3A_0] : memref<32x2048xf32, #tpu.memory_space<vmem>>, vector<32x2048xf32>
    %get3A_2 = arith.constant 0 : index
    %get3A_3 = arith.constant 0 : index
    %get3A_4 = vector.load %arg2[%get3A_2, %get3A_3] : memref<32x1024xf32, #tpu.memory_space<vmem>>, vector<32x1024xf32>
    %eq3A = arith.constant 0 : i32
    %eq3A_5 = arith.cmpi eq, %arg0, %eq3A : i32
    %convert_element_type3A = arith.extui %eq3A_5 : i1 to i32
    %cond3A = arith.constant 0 : i32
    %cond3A_6 = arith.cmpi ne, %convert_element_type3A, %cond3A : i32
    scf.if %cond3A_6 {
      %transpose3A = tpu.transpose %get3A_4, [1, 0] : vector<32x1024xf32> -> vector<1024x32xf32>
      %broadcast_in_dim3A_27 = arith.constant 0.000000e+00 : f32
      %broadcast_in_dim3A_28 = vector.broadcast %broadcast_in_dim3A_27 : f32 to vector<1024x96xf32>
      %concatenate3A = tpu.concatenate %transpose3A, %broadcast_in_dim3A_28 in 1 : vector<1024x32xf32>, vector<1024x96xf32> -> vector<1024x128xf32>
      %swap3A_29 = arith.constant 0 : index
      %swap3A_30 = arith.constant 0 : index
      %swap3A_31 = vector.load %arg4[%swap3A_29, %swap3A_30] : memref<1024x128xf32, #tpu.memory_space<vmem>>, vector<1024x128xf32>
      tpu.vector_store %arg4[%swap3A_29, %swap3A_30], %concatenate3A {strides = array<i32>} : memref<1024x128xf32, #tpu.memory_space<vmem>>, vector<1024x128xf32>,
    } else {
    }
    %mul3A = arith.mulf %get3A_4, %get3A_4 : vector<32x1024xf32>
    %reduce_sum3A = arith.constant dense<0.000000e+00> : vector<1024xf32>
    %reduce_sum3A_7 = vector.multi_reduction <add>, %mul3A, %reduce_sum3A [0] : vector<32x1024xf32> to vector<1024xf32>
    %reshape3A = vector.shape_cast %reduce_sum3A_7 : vector<1024xf32> to vector<1024x1xf32>
    %mul3A_8 = arith.mulf %get3A_1, %get3A_1 : vector<32x2048xf32>
    %reduce_sum3A_9 = arith.constant dense<0.000000e+00> : vector<2048xf32>
    %reduce_sum3A_10 = vector.multi_reduction <add>, %mul3A_8, %reduce_sum3A_9 [0] : vector<32x2048xf32> to vector<2048xf32>
    %broadcast_in_dim3A = vector.shape_cast %reduce_sum3A_10 : vector<2048xf32> to vector<1x2048xf32>
    %dot_general3A = arith.constant dense<0.000000e+00> : vector<1024x2048xf32>
    %dot_general3A_11 = tpu.matmul %get3A_4, %get3A_1, %dot_general3A {dimension_numbers = #tpu.dot_dimension_numbers<[0], [0], [1], [1], [0, 1, 1, 1], [], []>, transpose_lhs_hint = false} : vector<32x1024xf32>, vector<32x2048xf32>, vector<1024x2048xf32> -> vector<1024x2048xf32>
    %add3A = vector.broadcast %broadcast_in_dim3A : vector<1x2048xf32> to vector<1024x2048xf32>
    %add3A_12 = vector.broadcast %reshape3A : vector<1024x1xf32> to vector<1024x2048xf32>
    %add3A_13 = arith.addf %add3A, %add3A_12 : vector<1024x2048xf32>
    %mul3A_14 = arith.constant 2.000000e+00 : f32
    %mul3A_15 = vector.broadcast %mul3A_14 : f32 to vector<1024x2048xf32>
    %mul3A_16 = arith.mulf %mul3A_15, %dot_general3A_11 : vector<1024x2048xf32>
    %sub3A = arith.subf %add3A_13, %mul3A_16 : vector<1024x2048xf32>
    %reduce_min3A = arith.constant dense<0x7F800000> : vector<2048xf32>
    %reduce_min3A_17 = vector.multi_reduction <minimumf>, %sub3A, %reduce_min3A [0] : vector<1024x2048xf32> to vector<2048xf32>
    %broadcast_in_dim3A_18 = vector.shape_cast %reduce_min3A_17 : vector<2048xf32> to vector<1x2048xf32>
    %iota3A = tpu.iota {dimensions = array<i32: 0>} : vector<1024x2048xi32>
    %convert_element_type3A_19 = arith.sitofp %iota3A : vector<1024x2048xi32> to vector<1024x2048xf32>
    %eq3A_20 = vector.broadcast %broadcast_in_dim3A_18 : vector<1x2048xf32> to vector<1024x2048xf32>
    %eq3A_21 = arith.cmpf oeq, %sub3A, %eq3A_20 : vector<1024x2048xf32>
    %jit3A = arith.constant 1.024000e+03 : f32
    %broadcast_in_dim3A_22 = vector.broadcast %jit3A : f32 to vector<1024x2048xf32>
    %select_n3A = arith.select %eq3A_21, %convert_element_type3A_19, %broadcast_in_dim3A_22 : vector<1024x2048xi1>, vector<1024x2048xf32>
    %reduce_min3A_23 = arith.constant dense<0x7F800000> : vector<2048xf32>
    %reduce_min3A_24 = vector.multi_reduction <minimumf>, %select_n3A, %reduce_min3A_23 [0] : vector<1024x2048xf32> to vector<2048xf32>
    %convert_element_type3A_25 = arith.fptosi %reduce_min3A_24 : vector<2048xf32> to vector<2048xi32>
    %swap3A = arith.constant 0 : index
    %swap3A_26 = vector.load %arg3[%swap3A] : memref<2048xi32, #tpu.memory_space<vmem>>, vector<2048xi32>
    tpu.vector_store %arg3[%swap3A], %convert_element_type3A_25 {strides = array<i32>} : memref<2048xi32, #tpu.memory_space<vmem>>, vector<2048xi32>,
    return
  }
  func.func @transform_0(%arg0: i32) -> (i32, i32) {
    %c0_i32 = arith.constant 0 : i32
    %c0_i32_0 = arith.constant 0 : i32
    return %c0_i32, %arg0 : i32, i32
  }
  func.func @transform_1(%arg0: i32) -> (i32, i32) {
    %c0_i32 = arith.constant 0 : i32
    %c0_i32_0 = arith.constant 0 : i32
    %c0_i32_1 = arith.constant 0 : i32
    return %c0_i32, %c0_i32_0 : i32, i32
  }
  func.func @transform_2(%arg0: i32) -> i32 {
    %c0_i32 = arith.constant 0 : i32
    return %arg0 : i32
  }
  func.func @transform_3(%arg0: i32) -> (i32, i32) {
    %c0_i32 = arith.constant 0 : i32
    %c0_i32_0 = arith.constant 0 : i32
    %c0_i32_1 = arith.constant 0 : i32
    return %c0_i32, %c0_i32_0 : i32, i32
  }
}

</mosaic_0001>

<sc_bundles>
// kernel: kernel.5.cloned.1.call-start
scs
__scs_entry_jumppad:
0x0: {  	(pc) =	sbr.rel $0x88, $3  }
0x1: {  	(tag) =	ssettag $0x0;
	lr =	simm.s32 $0x1  }
0x2: {  	[smem:$0x3F9E] =	sst lr;
	_ =	strace $0xD0000000  }
0x3: {  	_ = 	snop  }
0x4: {  	_ = 	snop  }
0x5: {  	_ = 	snop  }
0x6: {  	_ = 	snop  }
0x7: {  	_ = 	snop  }
__scs_overlays_trampoline_lowered:
0x8: {  	[smem:$0x3FAD] =	sst s0  }
0x9: {  	[smem:$0x3FAE] =	sst s1  }
0xa: {  	[smem:$0x3FAF] =	sst s2  }
0xb: {  	[smem:$0x3FB0] =	sst s3  }
0xc: {  	[smem:$0x3FB1] =	sst s4  }
0xd: {  	[smem:$0x3FB2] =	sst s5  }
0xe: {  	[smem:$0x3FB3] =	sst s6  }
0xf: {  	[smem:$0x3FB4] =	sst s7  }
0x10: {  	[smem:$0x3FB5] =	sst s8  }
0x11: {  	[smem:$0x3FB6] =	sst s9;
	s0 =	simm.s32 @!p0 $0x0  }
0x12: {  	s1 =	sld [smem:$0x3F9C];
	s0 =	simm.s32 @p0 $0x1  }
0x13: {  	[smem:$0x3FB7] =	sst s0;
	s0 =	simm.s32 @!p1 $0x0  }
0x14: {  	s2 =	sld [smem:$0x3F9B];
	s0 =	simm.s32 @p1 $0x1  }
0x15: {  	[smem:$0x3FB8] =	sst s0;
	s0 =	simm.s32 @!p2 $0x0  }
0x16: {  	s3 =	sld [smem:$0x3FDB];
	s0 =	simm.s32 @p2 $0x1  }
0x17: {  	s4 =	simm.s32 $0x1BF5;
	[smem:$0x3FBA] =	sst s0  }
0x18: {  	s0 =	sld [smem:$0x3F9D];
	_ =	swait.ge [sflag:s4], $0x0  }
0x19: {  	s7 =	sld [smem:$0x3F9E]  }
0x1a: {  	s8 =	sadd.s32 $0xFFFFE003, lr  }
0x1b: {  	s9 =	sadd.s32 $0xFFFFFEF7, lr;
	s5 =	simm.s32 $0xFFFFFFFF;
	p2 =	slt.u32 s8, $0xFFFFF086  }
0x1c: {  	p1 =	slt.u32 s9, $0xF7A;
	s5 =	simm.s32 @!p2 $0x0  }
0x1d: {  	s5 =	simm.s32 @p1 $0x1;
	p0 =	seq.s32 s7, s2  }
0x1e: {  	s7 =	smul.u32 @!p0 $0xF7A, s2;
	p2 =	seq.s32 @!p0 s5, $0x0  }
0x1f: {  	s9 =	smul.u32 $0xF7A, s1;
	s8 =	simm.s32 @!p0 $0x1BF5;
	p2 =	por !p2, p0  }
0x20: {  	[sflag:s8] =	ssyncset.s32 @!p0 $0xFFFFF086;
	s6 =	sadd.s32 @!p0 s3, s7;
	s7 =	simm.s32 @!p0 $0x108  }
0x21: {  	s3 =	sadd.s32 s3, s9;
	s6 =	sadd.s32 @!p0 $0x88, s6;
	s7 =	simm.s32 @p2 $0x1082  }
0x22: {  	[simem:s7], [sflag:s8] =	dma.local @!p0 [hbm:s6], $0xF7A  }
0x23: {  	s9 =	sor.u32 $0xD0000000, s2;
	s6 =	simm.s32 $0x108;
	_ =	swait.ge @!p0 [sflag:s8], $0x0  }
0x24: {  	s3 =	sadd.s32 $0x88, s3;
	s6 =	simm.s32 @!p1 $0x1082;
	[sflag:s4] =	ssyncset.s32 $0xFFFFF086  }
0x25: {  	[simem:s6], [sflag:s4] =	dma.local [hbm:s3], $0xF7A  }
0x26: {  	[smem:$0x3F9E] =	sst s1;
	(tag) =	ssettag s2;
	_ =	strace s9  }
0x27: {  	s1 =	sld [smem:$0x3FAE]  }
0x28: {  	s2 =	sld [smem:$0x3FAF]  }
0x29: {  	s4 =	sld [smem:$0x3FB1]  }
0x2a: {  	p0 =	seq.s32 s5, $0x0;
	s5 =	sld [smem:$0x3FB2]  }
0x2b: {  	s6 =	sld [smem:$0x3FB3]  }
0x2c: {  	s7 =	sld [smem:$0x3FB4]  }
0x2d: {  	s3 =	simm.s32 $0x108;
	s8 =	sld [smem:$0x3FB5]  }
0x2e: {  	s3 =	simm.s32 @!p0 $0x1082;
	s9 =	sld [smem:$0x3FB6]  }
0x2f: {  	lr =	sadd.s32 s0, s3;
	s0 =	sld [smem:$0x3FAD]  }
0x30: {  	s3 =	sld [smem:$0x3FB0]  }
0x31: {  	[smem:$0x3FB9] =	sst s10  }
0x32: {  	s10 =	sld [smem:$0x3FB7];
	_ =	sdelay $0x3  }
0x33: {  	p0 =	seq.s32 s10, $0x1;
	s10 =	sld [smem:$0x3FB9];
	_ =	sdelay $0x3  }
0x34: {  	[smem:$0x3FB9] =	sst s10  }
0x35: {  	s10 =	sld [smem:$0x3FB8];
	_ =	sdelay $0x3  }
0x36: {  	p1 =	seq.s32 s10, $0x1;
	s10 =	sld [smem:$0x3FB9];
	_ =	sdelay $0x3  }
0x37: {  	[smem:$0x3FB9] =	sst s10  }
0x38: {  	s10 =	sld [smem:$0x3FBA]  }
0x39: {  	_ = 	snop;
	(pc) =	sbr.ind lr, $3  }
0x3a: {  	_ = 	snop  }
0x3b: {  	_ = 	snop  }
0x3c: {  	p2 =	seq.s32 s10, $0x1;
	s10 =	sld [smem:$0x3FB9]  }
0x3d: {  	_ =	shalt  }
0x3e: {  	_ =	shalt  }
0x3f: {  	_ =	shalt  }
0x40: {  	_ =	shalt  }
0x41: {  	_ =	shalt  }
0x42: {  	_ =	shalt  }
0x43: {  	_ =	shalt  }
0x44: {  	_ =	shalt  }
0x45: {  	_ =	shalt  }
0x46: {  	_ =	shalt  }
0x47: {  	_ =	shalt  }
0x48: {  	_ =	shalt  }
0x49: {  	_ =	shalt  }
0x4a: {  	_ =	shalt  }
0x4b: {  	_ =	shalt  }
0x4c: {  	_ =	shalt  }
0x4d: {  	_ =	shalt  }
0x4e: {  	_ =	shalt  }
0x4f: {  	_ =	shalt  }
0x50: {  	_ =	shalt  }
0x51: {  	_ =	shalt  }
0x52: {  	_ =	shalt  }
0x53: {  	_ =	shalt  }
0x54: {  	_ =	shalt  }
0x55: {  	_ =	shalt  }
0x56: {  	_ =	shalt  }
0x57: {  	_ =	shalt  }
0x58: {  	_ =	shalt  }
0x59: {  	_ =	shalt  }
0x5a: {  	_ =	shalt  }
0x5b: {  	_ =	shalt  }
0x5c: {  	_ =	shalt  }
0x5d: {  	_ =	shalt  }
0x5e: {  	_ =	shalt  }
0x5f: {  	_ =	shalt  }
0x60: {  	_ =	shalt  }
0x61: {  	_ =	shalt  }
0x62: {  	_ =	shalt  }
0x63: {  	_ =	shalt  }
0x64: {  	_ =	shalt  }
0x65: {  	_ =	shalt  }
0x66: {  	_ =	shalt  }
0x67: {  	_ =	shalt  }
0x68: {  	_ =	shalt  }
0x69: {  	_ =	shalt  }
0x6a: {  	_ =	shalt  }
0x6b: {  	_ =	shalt  }
0x6c: {  	_ =	shalt  }
0x6d: {  	_ =	shalt  }
0x6e: {  	_ =	shalt  }
0x6f: {  	_ =	shalt  }
0x70: {  	_ =	shalt  }
0x71: {  	_ =	shalt  }
0x72: {  	_ =	shalt  }
0x73: {  	_ =	shalt  }
0x74: {  	_ =	shalt  }
0x75: {  	_ =	shalt  }
0x76: {  	_ =	shalt  }
0x77: {  	_ =	shalt  }
0x78: {  	_ =	shalt  }
0x79: {  	_ =	shalt  }
0x7a: {  	_ =	shalt  }
0x7b: {  	_ =	shalt  }
0x7c: {  	_ =	shalt  }
0x7d: {  	_ =	shalt  }
0x7e: {  	_ =	shalt  }
0x7f: {  	_ =	shalt  }
0x80: {  	_ =	shalt  }
0x81: {  	_ =	shalt  }
0x82: {  	_ =	shalt  }
0x83: {  	_ =	shalt  }
0x84: {  	_ =	shalt  }
0x85: {  	_ =	shalt  }
0x86: {  	_ =	shalt  }
0x87: {  	_ =	shalt  }
.Lfunc_end0:
.L_simem_size_0:
called_computation_lowered:
.L_overlay_start_0:
0x88: {  	s2 =	sld [smem:$0x3FD9]  }
0x89: {  	s3 =	sld [smem:$0x3FFE];
	_ =	sdelay $0x1  }
0x8a: {  	s1 =	srdreg.scid  }
0x8b: {  	s0 =	sand.u32 $0x1, s1  }
0x8c: {  	s14 =	sshll.u32 s0, $0xA;
	s2 =	sadd.s32 s3, s2  }
0x8d: {  	s2 =	sadd.s32 s2, s14  }
0x8e: {  	[smem:$0x3FC5] =	sst s2  }
0x8f: {  	_ = 	snop  }
0x90: {  	s2 =	sld [smem:$0x3FD0];
	_ =	sdelay $0x2  }
0x91: {  	s15 =	simm.s32 $0xA;
	s4 =	simm.s32 $0x10  }
0x92: {  	[smem:s4], [sflag:s15] =	dma.local [hbm:s2], $0x1  }
0x93: {  	_ =	swait.eq [sflag:s15], $0x1  }
0x94: {  	[sflag:s15] =	ssyncset.done $0x0  }
0x95: {  	[sflag:s15] =	ssyncadd.s32 $0xFFFFFFFF  }
0x96: {  	s16 =	sld [smem:$0x10];
	(tm) =	ssettm $0x1  }
0x97: {  	s17 =	sld [smem:$0x3FFB];
	_ =	sdelay $0x3  }
0x98: {  	_ =	strace s17  }
0x99: {  	s3 =	sld [smem:$0x3FFC];
	_ =	sdelay $0x3  }
0x9a: {  	_ =	strace s3  }
0x9b: {  	s3 =	sld [smem:$0x3FFD];
	_ =	sdelay $0x3  }
0x9c: {  	_ =	strace s3  }
0x9d: {  	_ =	strace $0x8FFFFFFF  }
0x9e: {  	s18 =	sld [smem:$0x3FDB];
	_ =	sdelay $0x1  }
0x9f: {  	s19 =	simm.s32 $_scs_section_size  }
0xa0: {  	s5 =	simm.s32 $_size__tile_overlayer_lowered;
	s6 =	simm.s32 $_tile_overlayer_lowered  }
0xa1: {  	s22 =	simm.s32 $0x1BFF;
	s21 =	sshll.u32 s6, $0x1;
	s3 =	sadd.s32 s19, s18  }
0xa2: {  	s7 =	simm.s32 $0x0;
	s20 =	sshll.u32 s5, $0x1;
	s5 =	sadd.s32 s21, s3  }
0xa3: {  	[timem:s7], [sflag:s22] =	dma.local [hbm:s5], s20  }
0xa4: {  	_ =	swait.ge [sflag:s22], s20  }
0xa5: {  	s4 =	ssub.s32 $0x0, s20;
	[sflag:s22] =	ssyncset.done $0x0  }
0xa6: {  	[sflag:s22] =	ssyncadd.s32 s4;
	_ =	sdelay $0x1  }
0xa7: {  	s23 =	simm.s32 $0x1B8B  }
0xa8: {  	_ =	swait.ge [sflag:s23], $0x1  }
0xa9: {  	[sflag:s23] =	ssyncset.done $0x0  }
0xaa: {  	s25 =	simm.s32 $0x1B8E;
	s24 =	sld [smem:$0x3FFE];
	[sflag:s23] =	ssyncadd.s32 $0xFFFFFFFF  }
0xab: {  	s26 =	simm.s32 $execute0_lowered;
	[smem:$0x3FD2] =	sst s25  }
0xac: {  	s5 =	sshll.u32 s26, $0x1;
	_ =	strace $0x80000046;
	[dreg:$0x1] =	wrdreg $0xFFFFFFFF  }
0xad: {  	s28 =	simm.s32 $_size_execute0_lowered;
	s3 =	sadd.s32 s3, s5;
	[dreg:$0x0] =	wrdreg $0x0  }
0xae: {  	s5 =	sshll.u32 s28, $0x1;
	[dreg:$0x2] =	wrdreg s3  }
0xaf: {  	[dreg:$0x3] =	wrdreg s5  }
0xb0: {  	[dreg:$0x4] =	wrdreg $0xC0  }
0xb1: {  	_ =	task [dreg:s7], $0x5FFFF  }
0xb2: {  	[dreg:$0x1] =	wrdreg $0xFFFFFFFF  }
0xb3: {  	[dreg:$0x0] =	wrdreg $0x60  }
0xb4: {  	[dreg:$0x2] =	wrdreg s24  }
0xb5: {  	[dreg:$0x3] =	wrdreg s16  }
0xb6: {  	[dreg:$0x4] =	wrdreg $0x9  }
0xb7: {  	_ =	task.clear_ibuf [dreg:s7], $0x5FFFF;
	_ =	strace $0x90000046  }
0xb8: {  	s29 =	simm.s32 $0x9;
	_ =	strace $0x80000048  }
0xb9: {  	_ =	swait.ge [sflag:s29], $0x1  }
0xba: {  	[sflag:s29] =	ssyncadd.s32 $0xFFFFFFFF  }
0xbb: {  	_ =	strace $0x90000048  }
0xbc: {  	_ =	sfence  }
0xbd: {  	s30 =	sld [smem:$0x0];
	_ =	sdelay $0x2  }
0xbe: {  	s31 =	sshll.u32 s1, $0xD;
	s1 =	sshrl.u32 s1, $0x2  }
0xbf: {  	s3 =	sand.u32 $0x4000, s31;
	s1 =	sadd.s32 s1, s30  }
0xc0: {  	s0 =	sor.u32 s3, s0;
	s1 =	sshll.u32 s1, $0x11  }
0xc1: {  	s0 =	sor.u32 s1, s0  }
0xc2: {  	s0 =	sadd.s32 $0x8F2B, s0  }
0xc3: {  	[sflag:s0] =	ssyncadd.remote.s32 $0x1  }
0xc4: {  	_ =	sfence.sel $0xFFFF  }
0xc5: {  	[dreg:$0x0] =	wrdreg $0xFFFFFFFF;
	(pc) =	sbr.abs _section_cstart, $3  }
0xc6: {  	[dreg:$0x1] =	wrdreg $0xFFFFFFFF  }
0xc7: {  	_ =	task.clear_ibuf [dreg:s7], $0x2FFFF;
	_ =	strace $0x9FFFFFFF  }
0xc8: {  	(tm) =	ssettm $0x7FFFFFFF  }
0xc9: {  	_ =	shalt  }
tec
execute0_lowered:
.L_overlay_start_1:
0x0: {  	(tag) =	ssettag $0x1  }
0x1: {  	s4 =	rddreg [dreg:$0x0]  }
0x2: {  	s5 =	rddreg [dreg:$0x1]  }
0x3: {  	s0 =	rddreg [dreg:$0x2];
	s3 =	srdreg.scid  }
0x4: {  	s1 =	stileid.u32;
	s2 =	simm.s32 $0x0;
	s9 =	simm.s32 $0x1  }
0x5: {  	s10 =	simm.s32 $0x400;
	s11 =	simm.s32 $0x8000;
	s12 =	simm.s32 $0x4080  }
0x6: {  	s3 =	sand.u32 $0x1, s3;
	s6 =	sshll.u32 s1, $0x1;
	[smem:$0x7FF] =	sst s2  }
0x7: {  	s13 =	simm.s32 $0x0;
	s6 =	sor.u32 s3, s6;
	_ =	strace $0x80000047  }
0x8: {  	s8 =	ssub.s32 $0x2, s3;
	s3 =	sadd.s32 $0x1200, s4;
	s7 =	sshll.u32 s6, $0x4  }
0x9: {  	s31 =	sshrl.u32 s8, $0x1;
	s6 =	sshll.u32 s6, $0x7;
	s4 =	sadd.s32 s7, s4  }
0xa: {  	v0 =	vlaneseq.u32;
	s7 =	ssub.s32 s8, s31;
	s5 =	sadd.s32 s5, s6;
	s8 =	simm.s32 $0x80  }
0xb: {  	v0 =	vmul.u32 $0x80, v0;
	s4 =	sadd.s32 $0x5200, s4;
	s6 =	smax.u32 s7, $0x1;
	s7 =	simm.s32 $0x2  }
.LBB2_1:
0xc: {  	[tilespmem:s2], [sflag:$0x2] =	stream.linear.gather [hbm4b:s4+s2], $0x80, $0x38;
	[tilespmem:$0x5080] =	vst v63  }
0xd: {  	v1 =	vmov s2;
	_ =	swait.ge [sflag:s7], $0x80  }
0xe: {  	v1 =	vshll.u32 v1, $0x7;
	[sflag:s7] =	ssyncset.done $0x0  }
0xf: {  	v1 =	vor.u32 v0, v1;
	[sflag:s7] =	ssyncadd.s32 $0xFFFFFF80  }
0x10: {  	[tilespmem:s8], [sflag:$0x1] =	stream.indirect.gather [hbm4b:s3+s8], $0x80, s2, s8, $0xb8;
	[tilespmem:$0x5080] =	vst v63  }
0x11: {  	_ =	swait.ge [sflag:s9], $0x4000  }
0x12: {  	[sflag:s9] =	ssyncset.done $0x0  }
0x13: {  	[sflag:s9] =	ssyncadd.s32 $0xFFFFC000  }
0x14: {  	v2 =	vld.idx.msk [tilespmem:v1+s8+$0x0], $0xffff  }
0x15: {  	v3 =	vor.u32 $0x1, v1;
	_ =	sdelay $0x2  }
0x16: {  	s14 =	simm.s32 $0x4880  }
0x17: {  	[tilespmem:s14+$0xFFFFF800] =	vst v2  }
0x18: {  	v2 =	vld.idx.msk [tilespmem:v3+s8+$0x0], $0xffff  }
0x19: {  	v3 =	vor.u32 $0x2, v1;
	_ =	sdelay $0x3  }
0x1a: {  	[tilespmem:s14+$0xFFFFF880] =	vst v2  }
0x1b: {  	v2 =	vld.idx.msk [tilespmem:v3+s8+$0x0], $0xffff  }
0x1c: {  	v3 =	vor.u32 $0x3, v1;
	_ =	sdelay $0x3  }
0x1d: {  	[tilespmem:s14+$0xFFFFF900] =	vst v2  }
0x1e: {  	v2 =	vld.idx.msk [tilespmem:v3+s8+$0x0], $0xffff  }
0x1f: {  	v3 =	vor.u32 $0x4, v1;
	_ =	sdelay $0x3  }
0x20: {  	[tilespmem:s14+$0xFFFFF980] =	vst v2  }
0x21: {  	v2 =	vld.idx.msk [tilespmem:v3+s8+$0x0], $0xffff  }
0x22: {  	v3 =	vor.u32 $0x5, v1;
	_ =	sdelay $0x3  }
0x23: {  	[tilespmem:s14+$0xFFFFFA00] =	vst v2  }
0x24: {  	v2 =	vld.idx.msk [tilespmem:v3+s8+$0x0], $0xffff  }
0x25: {  	v3 =	vor.u32 $0x6, v1;
	_ =	sdelay $0x3  }
0x26: {  	[tilespmem:s14+$0xFFFFFA80] =	vst v2  }
0x27: {  	v2 =	vld.idx.msk [tilespmem:v3+s8+$0x0], $0xffff  }
0x28: {  	v3 =	vor.u32 $0x7, v1;
	_ =	sdelay $0x3  }
0x29: {  	[tilespmem:s14+$0xFFFFFB00] =	vst v2  }
0x2a: {  	v2 =	vld.idx.msk [tilespmem:v3+s8+$0x0], $0xffff  }
0x2b: {  	v3 =	vor.u32 $0x8, v1;
	_ =	sdelay $0x3  }
0x2c: {  	[tilespmem:s14+$0xFFFFFB80] =	vst v2  }
0x2d: {  	v2 =	vld.idx.msk [tilespmem:v3+s8+$0x0], $0xffff  }
0x2e: {  	v3 =	vor.u32 $0x9, v1;
	_ =	sdelay $0x3  }
0x2f: {  	[tilespmem:s14+$0xFFFFFC00] =	vst v2  }
0x30: {  	v2 =	vld.idx.msk [tilespmem:v3+s8+$0x0], $0xffff  }
0x31: {  	v3 =	vor.u32 $0xA, v1;
	_ =	sdelay $0x3  }
0x32: {  	[tilespmem:s14+$0xFFFFFC80] =	vst v2  }
0x33: {  	v2 =	vld.idx.msk [tilespmem:v3+s8+$0x0], $0xffff  }
0x34: {  	v3 =	vor.u32 $0xB, v1;
	_ =	sdelay $0x3  }
0x35: {  	[tilespmem:s14+$0xFFFFFD00] =	vst v2  }
0x36: {  	v2 =	vld.idx.msk [tilespmem:v3+s8+$0x0], $0xffff  }
0x37: {  	v3 =	vor.u32 $0xC, v1;
	_ =	sdelay $0x3  }
0x38: {  	[tilespmem:s14+$0xFFFFFD80] =	vst v2  }
0x39: {  	v2 =	vld.idx.msk [tilespmem:v3+s8+$0x0], $0xffff  }
0x3a: {  	v3 =	vor.u32 $0xD, v1;
	_ =	sdelay $0x3  }
0x3b: {  	[tilespmem:s14+$0xFFFFFE00] =	vst v2  }
0x3c: {  	v2 =	vld.idx.msk [tilespmem:v3+s8+$0x0], $0xffff  }
0x3d: {  	v3 =	vor.u32 $0xE, v1;
	_ =	sdelay $0x3  }
0x3e: {  	[tilespmem:s14+$0xFFFFFE80] =	vst v2  }
0x3f: {  	v2 =	vld.idx.msk [tilespmem:v3+s8+$0x0], $0xffff  }
0x40: {  	v3 =	vor.u32 $0xF, v1;
	_ =	sdelay $0x3  }
0x41: {  	[tilespmem:s14+$0xFFFFFF00] =	vst v2  }
0x42: {  	v2 =	vld.idx.msk [tilespmem:v3+s8+$0x0], $0xffff  }
0x43: {  	v3 =	vor.u32 $0x10, v1;
	_ =	sdelay $0x3  }
0x44: {  	[tilespmem:s14+$0xFFFFFF80] =	vst v2  }
0x45: {  	v2 =	vld.idx.msk [tilespmem:v3+s8+$0x0], $0xffff  }
0x46: {  	v3 =	vor.u32 $0x11, v1;
	_ =	sdelay $0x3  }
0x47: {  	[tilespmem:s14+$0x0] =	vst v2  }
0x48: {  	v2 =	vld.idx.msk [tilespmem:v3+s8+$0x0], $0xffff  }
0x49: {  	v3 =	vor.u32 $0x12, v1;
	_ =	sdelay $0x3  }
0x4a: {  	[tilespmem:s14+$0x80] =	vst v2  }
0x4b: {  	v2 =	vld.idx.msk [tilespmem:v3+s8+$0x0], $0xffff  }
0x4c: {  	v3 =	vor.u32 $0x13, v1;
	_ =	sdelay $0x3  }
0x4d: {  	[tilespmem:s14+$0x100] =	vst v2  }
0x4e: {  	v2 =	vld.idx.msk [tilespmem:v3+s8+$0x0], $0xffff  }
0x4f: {  	v3 =	vor.u32 $0x14, v1;
	_ =	sdelay $0x3  }
0x50: {  	[tilespmem:s14+$0x180] =	vst v2  }
0x51: {  	v2 =	vld.idx.msk [tilespmem:v3+s8+$0x0], $0xffff  }
0x52: {  	v3 =	vor.u32 $0x15, v1;
	_ =	sdelay $0x3  }
0x53: {  	[tilespmem:s14+$0x200] =	vst v2  }
0x54: {  	v2 =	vld.idx.msk [tilespmem:v3+s8+$0x0], $0xffff  }
0x55: {  	v3 =	vor.u32 $0x16, v1;
	_ =	sdelay $0x3  }
0x56: {  	[tilespmem:s14+$0x280] =	vst v2  }
0x57: {  	v2 =	vld.idx.msk [tilespmem:v3+s8+$0x0], $0xffff  }
0x58: {  	v3 =	vor.u32 $0x17, v1;
	_ =	sdelay $0x3  }
0x59: {  	[tilespmem:s14+$0x300] =	vst v2  }
0x5a: {  	v2 =	vld.idx.msk [tilespmem:v3+s8+$0x0], $0xffff  }
0x5b: {  	v3 =	vor.u32 $0x18, v1;
	_ =	sdelay $0x3  }
0x5c: {  	[tilespmem:s14+$0x380] =	vst v2  }
0x5d: {  	v2 =	vld.idx.msk [tilespmem:v3+s8+$0x0], $0xffff  }
0x5e: {  	v3 =	vor.u32 $0x19, v1;
	_ =	sdelay $0x3  }
0x5f: {  	[tilespmem:s14+$0x400] =	vst v2  }
0x60: {  	v2 =	vld.idx.msk [tilespmem:v3+s8+$0x0], $0xffff  }
0x61: {  	v3 =	vor.u32 $0x1A, v1;
	_ =	sdelay $0x3  }
0x62: {  	[tilespmem:s14+$0x480] =	vst v2  }
0x63: {  	v2 =	vld.idx.msk [tilespmem:v3+s8+$0x0], $0xffff  }
0x64: {  	v3 =	vor.u32 $0x1B, v1;
	_ =	sdelay $0x3  }
0x65: {  	[tilespmem:s14+$0x500] =	vst v2  }
0x66: {  	v2 =	vld.idx.msk [tilespmem:v3+s8+$0x0], $0xffff  }
0x67: {  	v3 =	vor.u32 $0x1C, v1;
	_ =	sdelay $0x3  }
0x68: {  	[tilespmem:s14+$0x580] =	vst v2  }
0x69: {  	v2 =	vld.idx.msk [tilespmem:v3+s8+$0x0], $0xffff  }
0x6a: {  	v3 =	vor.u32 $0x1D, v1;
	_ =	sdelay $0x3  }
0x6b: {  	[tilespmem:s14+$0x600] =	vst v2  }
0x6c: {  	v2 =	vld.idx.msk [tilespmem:v3+s8+$0x0], $0xffff  }
0x6d: {  	v3 =	vor.u32 $0x1E, v1;
	_ =	sdelay $0x3  }
0x6e: {  	[tilespmem:s14+$0x680] =	vst v2  }
0x6f: {  	v2 =	vld.idx.msk [tilespmem:v3+s8+$0x0], $0xffff  }
0x70: {  	v3 =	vor.u32 $0x1F, v1;
	_ =	sdelay $0x3  }
0x71: {  	s15 =	simm.s32 $0x10;
	[tilespmem:s14+$0x700] =	vst v2  }
0x72: {  	v1 =	vmov s15;
	s15 =	simm.s32 $0x20;
	v2 =	vld.idx.msk [tilespmem:v3+s8+$0x0], $0xffff  }
.LBB2_2:
0x73: {  	p0 =	sne.s32 s15, $0x70;
	v1 =	vshll.u32 v1, $0x7  }
0x74: {  	v1 =	vor.u32 v0, v1;
	_ =	sdelay $0x3  }
0x75: {  	[tilespmem:s14+$0x780] =	vst v2  }
0x76: {  	v2 =	vld.idx.msk [tilespmem:v1+s8+$0x0], $0xffff;
	_ =	sdelay $0x1  }
0x77: {  	v3 =	vor.u32 $0x1, v1;
	_ =	sdelay $0x2  }
0x78: {  	s14 =	sadd.s32 $0x10, s14  }
0x79: {  	[tilespmem:s14+$0xFFFFF800] =	vst v2  }
0x7a: {  	v2 =	vld.idx.msk [tilespmem:v3+s8+$0x0], $0xffff;
	_ =	sdelay $0x1  }
0x7b: {  	v3 =	vor.u32 $0x2, v1;
	_ =	sdelay $0x3  }
0x7c: {  	[tilespmem:s14+$0xFFFFF880] =	vst v2  }
0x7d: {  	v2 =	vld.idx.msk [tilespmem:v3+s8+$0x0], $0xffff;
	_ =	sdelay $0x1  }
0x7e: {  	v3 =	vor.u32 $0x3, v1;
	_ =	sdelay $0x3  }
0x7f: {  	[tilespmem:s14+$0xFFFFF900] =	vst v2  }
0x80: {  	v2 =	vld.idx.msk [tilespmem:v3+s8+$0x0], $0xffff;
	_ =	sdelay $0x1  }
0x81: {  	v3 =	vor.u32 $0x4, v1;
	_ =	sdelay $0x3  }
0x82: {  	[tilespmem:s14+$0xFFFFF980] =	vst v2  }
0x83: {  	v2 =	vld.idx.msk [tilespmem:v3+s8+$0x0], $0xffff;
	_ =	sdelay $0x1  }
0x84: {  	v3 =	vor.u32 $0x5, v1;
	_ =	sdelay $0x3  }
0x85: {  	[tilespmem:s14+$0xFFFFFA00] =	vst v2  }
0x86: {  	v2 =	vld.idx.msk [tilespmem:v3+s8+$0x0], $0xffff;
	_ =	sdelay $0x1  }
0x87: {  	v3 =	vor.u32 $0x6, v1;
	_ =	sdelay $0x3  }
0x88: {  	[tilespmem:s14+$0xFFFFFA80] =	vst v2  }
0x89: {  	v2 =	vld.idx.msk [tilespmem:v3+s8+$0x0], $0xffff;
	_ =	sdelay $0x1  }
0x8a: {  	v3 =	vor.u32 $0x7, v1;
	_ =	sdelay $0x3  }
0x8b: {  	[tilespmem:s14+$0xFFFFFB00] =	vst v2  }
0x8c: {  	v2 =	vld.idx.msk [tilespmem:v3+s8+$0x0], $0xffff;
	_ =	sdelay $0x1  }
0x8d: {  	v3 =	vor.u32 $0x8, v1;
	_ =	sdelay $0x3  }
0x8e: {  	[tilespmem:s14+$0xFFFFFB80] =	vst v2  }
0x8f: {  	v2 =	vld.idx.msk [tilespmem:v3+s8+$0x0], $0xffff;
	_ =	sdelay $0x1  }
0x90: {  	v3 =	vor.u32 $0x9, v1;
	_ =	sdelay $0x3  }
0x91: {  	[tilespmem:s14+$0xFFFFFC00] =	vst v2  }
0x92: {  	v2 =	vld.idx.msk [tilespmem:v3+s8+$0x0], $0xffff;
	_ =	sdelay $0x1  }
0x93: {  	v3 =	vor.u32 $0xA, v1;
	_ =	sdelay $0x3  }
0x94: {  	[tilespmem:s14+$0xFFFFFC80] =	vst v2  }
0x95: {  	v2 =	vld.idx.msk [tilespmem:v3+s8+$0x0], $0xffff;
	_ =	sdelay $0x1  }
0x96: {  	v3 =	vor.u32 $0xB, v1;
	_ =	sdelay $0x3  }
0x97: {  	[tilespmem:s14+$0xFFFFFD00] =	vst v2  }
0x98: {  	v2 =	vld.idx.msk [tilespmem:v3+s8+$0x0], $0xffff;
	_ =	sdelay $0x1  }
0x99: {  	v3 =	vor.u32 $0xC, v1;
	_ =	sdelay $0x3  }
0x9a: {  	[tilespmem:s14+$0xFFFFFD80] =	vst v2  }
0x9b: {  	v2 =	vld.idx.msk [tilespmem:v3+s8+$0x0], $0xffff;
	_ =	sdelay $0x1  }
0x9c: {  	v3 =	vor.u32 $0xD, v1;
	_ =	sdelay $0x3  }
0x9d: {  	[tilespmem:s14+$0xFFFFFE00] =	vst v2  }
0x9e: {  	v2 =	vld.idx.msk [tilespmem:v3+s8+$0x0], $0xffff;
	_ =	sdelay $0x1  }
0x9f: {  	v3 =	vor.u32 $0xE, v1;
	_ =	sdelay $0x3  }
0xa0: {  	[tilespmem:s14+$0xFFFFFE80] =	vst v2  }
0xa1: {  	v2 =	vld.idx.msk [tilespmem:v3+s8+$0x0], $0xffff;
	_ =	sdelay $0x1  }
0xa2: {  	v3 =	vor.u32 $0xF, v1;
	_ =	sdelay $0x3  }
0xa3: {  	[tilespmem:s14+$0xFFFFFF00] =	vst v2  }
0xa4: {  	v2 =	vld.idx.msk [tilespmem:v3+s8+$0x0], $0xffff;
	_ =	sdelay $0x1  }
0xa5: {  	v3 =	vor.u32 $0x10, v1;
	_ =	sdelay $0x3  }
0xa6: {  	[tilespmem:s14+$0xFFFFFF80] =	vst v2  }
0xa7: {  	v2 =	vld.idx.msk [tilespmem:v3+s8+$0x0], $0xffff;
	_ =	sdelay $0x1  }
0xa8: {  	v3 =	vor.u32 $0x11, v1;
	_ =	sdelay $0x3  }
0xa9: {  	[tilespmem:s14+$0x0] =	vst v2  }
0xaa: {  	v2 =	vld.idx.msk [tilespmem:v3+s8+$0x0], $0xffff;
	_ =	sdelay $0x1  }
0xab: {  	v3 =	vor.u32 $0x12, v1;
	_ =	sdelay $0x3  }
0xac: {  	[tilespmem:s14+$0x80] =	vst v2  }
0xad: {  	v2 =	vld.idx.msk [tilespmem:v3+s8+$0x0], $0xffff;
	_ =	sdelay $0x1  }
0xae: {  	v3 =	vor.u32 $0x13, v1;
	_ =	sdelay $0x3  }
0xaf: {  	[tilespmem:s14+$0x100] =	vst v2  }
0xb0: {  	v2 =	vld.idx.msk [tilespmem:v3+s8+$0x0], $0xffff;
	_ =	sdelay $0x1  }
0xb1: {  	v3 =	vor.u32 $0x14, v1;
	_ =	sdelay $0x3  }
0xb2: {  	[tilespmem:s14+$0x180] =	vst v2  }
0xb3: {  	v2 =	vld.idx.msk [tilespmem:v3+s8+$0x0], $0xffff;
	_ =	sdelay $0x1  }
0xb4: {  	v3 =	vor.u32 $0x15, v1;
	_ =	sdelay $0x3  }
0xb5: {  	[tilespmem:s14+$0x200] =	vst v2  }
0xb6: {  	v2 =	vld.idx.msk [tilespmem:v3+s8+$0x0], $0xffff;
	_ =	sdelay $0x1  }
0xb7: {  	v3 =	vor.u32 $0x16, v1;
	_ =	sdelay $0x3  }
0xb8: {  	[tilespmem:s14+$0x280] =	vst v2  }
0xb9: {  	v2 =	vld.idx.msk [tilespmem:v3+s8+$0x0], $0xffff;
	_ =	sdelay $0x1  }
0xba: {  	v3 =	vor.u32 $0x17, v1;
	_ =	sdelay $0x3  }
0xbb: {  	[tilespmem:s14+$0x300] =	vst v2  }
0xbc: {  	v2 =	vld.idx.msk [tilespmem:v3+s8+$0x0], $0xffff;
	_ =	sdelay $0x1  }
0xbd: {  	v3 =	vor.u32 $0x18, v1;
	_ =	sdelay $0x3  }
0xbe: {  	[tilespmem:s14+$0x380] =	vst v2  }
0xbf: {  	v2 =	vld.idx.msk [tilespmem:v3+s8+$0x0], $0xffff;
	_ =	sdelay $0x1  }
0xc0: {  	v3 =	vor.u32 $0x19, v1;
	_ =	sdelay $0x3  }
0xc1: {  	[tilespmem:s14+$0x400] =	vst v2  }
0xc2: {  	v2 =	vld.idx.msk [tilespmem:v3+s8+$0x0], $0xffff;
	_ =	sdelay $0x1  }
0xc3: {  	v3 =	vor.u32 $0x1A, v1;
	_ =	sdelay $0x3  }
0xc4: {  	[tilespmem:s14+$0x480] =	vst v2  }
0xc5: {  	v2 =	vld.idx.msk [tilespmem:v3+s8+$0x0], $0xffff;
	_ =	sdelay $0x1  }
0xc6: {  	v3 =	vor.u32 $0x1B, v1;
	_ =	sdelay $0x3  }
0xc7: {  	[tilespmem:s14+$0x500] =	vst v2  }
0xc8: {  	v2 =	vld.idx.msk [tilespmem:v3+s8+$0x0], $0xffff;
	_ =	sdelay $0x1  }
0xc9: {  	v3 =	vor.u32 $0x1C, v1;
	_ =	sdelay $0x3  }
0xca: {  	[tilespmem:s14+$0x580] =	vst v2  }
0xcb: {  	v2 =	vld.idx.msk [tilespmem:v3+s8+$0x0], $0xffff;
	_ =	sdelay $0x1  }
0xcc: {  	v3 =	vor.u32 $0x1D, v1;
	_ =	sdelay $0x3  }
0xcd: {  	[tilespmem:s14+$0x600] =	vst v2  }
0xce: {  	v2 =	vld.idx.msk [tilespmem:v3+s8+$0x0], $0xffff;
	_ =	sdelay $0x1  }
0xcf: {  	v3 =	vor.u32 $0x1E, v1;
	_ =	sdelay $0x3  }
0xd0: {  	[tilespmem:s14+$0x680] =	vst v2  }
0xd1: {  	v2 =	vld.idx.msk [tilespmem:v3+s8+$0x0], $0xffff;
	_ =	sdelay $0x1  }
0xd2: {  	v3 =	vor.u32 $0x1F, v1  }
.Ltmp0:
0xd3: {  	(pc) =	sbr.rel @p0 .LBB2_2-.Ltmp0, $3  }
0xd4: {  	_ =	sdelay $0x1  }
0xd5: {  	[tilespmem:s14+$0x700] =	vst v2  }
0xd6: {  	v1 =	vmov s15;
	s15 =	sadd.s32 $0x10, s15;
	v2 =	vld.idx.msk [tilespmem:v3+s8+$0x0], $0xffff  }
0xd7: {  	v1 =	vshll.u32 v1, $0x7  }
0xd8: {  	v1 =	vor.u32 v0, v1;
	_ =	sdelay $0x3  }
0xd9: {  	[tilespmem:s14+$0x780] =	vst v2  }
0xda: {  	v2 =	vld.idx.msk [tilespmem:v1+s8+$0x0], $0xffff  }
0xdb: {  	v3 =	vor.u32 $0x1, v1;
	_ =	sdelay $0x2  }
0xdc: {  	s31 =	sadd.s32 $0x10, s14  }
0xdd: {  	[tilespmem:s31+$0xFFFFF800] =	vst v2  }
0xde: {  	v2 =	vld.idx.msk [tilespmem:v3+s8+$0x0], $0xffff  }
0xdf: {  	v3 =	vor.u32 $0x2, v1;
	_ =	sdelay $0x3  }
0xe0: {  	[tilespmem:s31+$0xFFFFF880] =	vst v2  }
0xe1: {  	v2 =	vld.idx.msk [tilespmem:v3+s8+$0x0], $0xffff  }
0xe2: {  	v3 =	vor.u32 $0x3, v1;
	_ =	sdelay $0x3  }
0xe3: {  	[tilespmem:s31+$0xFFFFF900] =	vst v2  }
0xe4: {  	v2 =	vld.idx.msk [tilespmem:v3+s8+$0x0], $0xffff  }
0xe5: {  	v3 =	vor.u32 $0x4, v1;
	_ =	sdelay $0x3  }
0xe6: {  	[tilespmem:s31+$0xFFFFF980] =	vst v2  }
0xe7: {  	v2 =	vld.idx.msk [tilespmem:v3+s8+$0x0], $0xffff  }
0xe8: {  	v3 =	vor.u32 $0x5, v1;
	_ =	sdelay $0x3  }
0xe9: {  	[tilespmem:s31+$0xFFFFFA00] =	vst v2  }
0xea: {  	v2 =	vld.idx.msk [tilespmem:v3+s8+$0x0], $0xffff  }
0xeb: {  	v3 =	vor.u32 $0x6, v1;
	_ =	sdelay $0x3  }
0xec: {  	[tilespmem:s31+$0xFFFFFA80] =	vst v2  }
0xed: {  	v2 =	vld.idx.msk [tilespmem:v3+s8+$0x0], $0xffff  }
0xee: {  	v3 =	vor.u32 $0x7, v1;
	_ =	sdelay $0x3  }
0xef: {  	[tilespmem:s31+$0xFFFFFB00] =	vst v2  }
0xf0: {  	v2 =	vld.idx.msk [tilespmem:v3+s8+$0x0], $0xffff  }
0xf1: {  	v3 =	vor.u32 $0x8, v1;
	_ =	sdelay $0x3  }
0xf2: {  	[tilespmem:s31+$0xFFFFFB80] =	vst v2  }
0xf3: {  	v2 =	vld.idx.msk [tilespmem:v3+s8+$0x0], $0xffff  }
0xf4: {  	v3 =	vor.u32 $0x9, v1;
	_ =	sdelay $0x3  }
0xf5: {  	[tilespmem:s31+$0xFFFFFC00] =	vst v2  }
0xf6: {  	v2 =	vld.idx.msk [tilespmem:v3+s8+$0x0], $0xffff  }
0xf7: {  	v3 =	vor.u32 $0xA, v1;
	_ =	sdelay $0x3  }
0xf8: {  	[tilespmem:s31+$0xFFFFFC80] =	vst v2  }
0xf9: {  	v2 =	vld.idx.msk [tilespmem:v3+s8+$0x0], $0xffff  }
0xfa: {  	v3 =	vor.u32 $0xB, v1;
	_ =	sdelay $0x3  }
0xfb: {  	[tilespmem:s31+$0xFFFFFD00] =	vst v2  }
0xfc: {  	v2 =	vld.idx.msk [tilespmem:v3+s8+$0x0], $0xffff  }
0xfd: {  	v3 =	vor.u32 $0xC, v1;
	_ =	sdelay $0x3  }
0xfe: {  	[tilespmem:s31+$0xFFFFFD80] =	vst v2  }
0xff: {  	v2 =	vld.idx.msk [tilespmem:v3+s8+$0x0], $0xffff  }
0x100: {  	v3 =	vor.u32 $0xD, v1;
	_ =	sdelay $0x3  }
0x101: {  	[tilespmem:s31+$0xFFFFFE00] =	vst v2  }
0x102: {  	v2 =	vld.idx.msk [tilespmem:v3+s8+$0x0], $0xffff  }
0x103: {  	v3 =	vor.u32 $0xE, v1;
	_ =	sdelay $0x3  }
0x104: {  	[tilespmem:s31+$0xFFFFFE80] =	vst v2  }
0x105: {  	v2 =	vld.idx.msk [tilespmem:v3+s8+$0x0], $0xffff  }
0x106: {  	v3 =	vor.u32 $0xF, v1;
	_ =	sdelay $0x3  }
0x107: {  	[tilespmem:s31+$0xFFFFFF00] =	vst v2  }
0x108: {  	v2 =	vld.idx.msk [tilespmem:v3+s8+$0x0], $0xffff  }
0x109: {  	v3 =	vor.u32 $0x10, v1;
	_ =	sdelay $0x3  }
0x10a: {  	[tilespmem:s31+$0xFFFFFF80] =	vst v2  }
0x10b: {  	v2 =	vld.idx.msk [tilespmem:v3+s8+$0x0], $0xffff  }
0x10c: {  	v3 =	vor.u32 $0x11, v1;
	_ =	sdelay $0x3  }
0x10d: {  	[tilespmem:s31+$0x0] =	vst v2  }
0x10e: {  	v2 =	vld.idx.msk [tilespmem:v3+s8+$0x0], $0xffff  }
0x10f: {  	v3 =	vor.u32 $0x12, v1;
	_ =	sdelay $0x3  }
0x110: {  	[tilespmem:s31+$0x80] =	vst v2  }
0x111: {  	v2 =	vld.idx.msk [tilespmem:v3+s8+$0x0], $0xffff  }
0x112: {  	v3 =	vor.u32 $0x13, v1;
	_ =	sdelay $0x3  }
0x113: {  	[tilespmem:s31+$0x100] =	vst v2  }
0x114: {  	v2 =	vld.idx.msk [tilespmem:v3+s8+$0x0], $0xffff  }
0x115: {  	v3 =	vor.u32 $0x14, v1;
	_ =	sdelay $0x3  }
0x116: {  	[tilespmem:s31+$0x180] =	vst v2  }
0x117: {  	v2 =	vld.idx.msk [tilespmem:v3+s8+$0x0], $0xffff  }
0x118: {  	v3 =	vor.u32 $0x15, v1;
	_ =	sdelay $0x3  }
0x119: {  	[tilespmem:s31+$0x200] =	vst v2  }
0x11a: {  	v2 =	vld.idx.msk [tilespmem:v3+s8+$0x0], $0xffff  }
0x11b: {  	v3 =	vor.u32 $0x16, v1;
	_ =	sdelay $0x3  }
0x11c: {  	[tilespmem:s31+$0x280] =	vst v2  }
0x11d: {  	v2 =	vld.idx.msk [tilespmem:v3+s8+$0x0], $0xffff  }
0x11e: {  	v3 =	vor.u32 $0x17, v1;
	_ =	sdelay $0x3  }
0x11f: {  	[tilespmem:s31+$0x300] =	vst v2  }
0x120: {  	v2 =	vld.idx.msk [tilespmem:v3+s8+$0x0], $0xffff  }
0x121: {  	v3 =	vor.u32 $0x18, v1;
	_ =	sdelay $0x3  }
0x122: {  	[tilespmem:s31+$0x380] =	vst v2  }
0x123: {  	v2 =	vld.idx.msk [tilespmem:v3+s8+$0x0], $0xffff  }
0x124: {  	v3 =	vor.u32 $0x19, v1;
	_ =	sdelay $0x3  }
0x125: {  	[tilespmem:s31+$0x400] =	vst v2  }
0x126: {  	v2 =	vld.idx.msk [tilespmem:v3+s8+$0x0], $0xffff  }
0x127: {  	v3 =	vor.u32 $0x1A, v1;
	_ =	sdelay $0x3  }
0x128: {  	[tilespmem:s31+$0x480] =	vst v2  }
0x129: {  	v2 =	vld.idx.msk [tilespmem:v3+s8+$0x0], $0xffff  }
0x12a: {  	v3 =	vor.u32 $0x1B, v1;
	_ =	sdelay $0x3  }
0x12b: {  	[tilespmem:s31+$0x500] =	vst v2  }
0x12c: {  	v2 =	vld.idx.msk [tilespmem:v3+s8+$0x0], $0xffff  }
0x12d: {  	v3 =	vor.u32 $0x1C, v1;
	_ =	sdelay $0x3  }
0x12e: {  	[tilespmem:s31+$0x580] =	vst v2  }
0x12f: {  	v2 =	vld.idx.msk [tilespmem:v3+s8+$0x0], $0xffff  }
0x130: {  	v3 =	vor.u32 $0x1D, v1;
	_ =	sdelay $0x3  }
0x131: {  	[tilespmem:s31+$0x600] =	vst v2  }
0x132: {  	v2 =	vld.idx.msk [tilespmem:v3+s8+$0x0], $0xffff  }
0x133: {  	v3 =	vor.u32 $0x1E, v1;
	_ =	sdelay $0x3  }
0x134: {  	[tilespmem:s31+$0x680] =	vst v2  }
0x135: {  	v2 =	vld.idx.msk [tilespmem:v3+s8+$0x0], $0xffff  }
0x136: {  	v1 =	vor.u32 $0x1F, v1;
	_ =	sdelay $0x3  }
0x137: {  	[tilespmem:s31+$0x700] =	vst v2  }
0x138: {  	v1 =	vld.idx.msk [tilespmem:v1+s8+$0x0], $0xffff;
	_ =	sdelay $0x2  }
0x139: {  	s13 =	sadd.s32 $0x1, s13  }
0x13a: {  	p0 =	sne.s32 s13, s6  }
.Ltmp1:
0x13b: {  	[tilespmem:s31+$0x780] =	vst v1;
	(pc) =	sbr.rel @p0 .LBB2_1-.Ltmp1, $4  }
0x13c: {  	[hbm4b:s5+s10] =	stream.strided.scatter [tilespmem:s12], [sflag:$0x2], $0x1000, s11, s10, $0x38;
	[tilespmem:$0x5080] =	vst v63  }
0x13d: {  	_ =	swait.ge [sflag:s7], $0x1000  }
0x13e: {  	[sflag:s7] =	ssyncset.done $0x0  }
0x13f: {  	[sflag:s7] =	ssyncadd.s32 $0xFFFFF000  }
0x140: {  	_ =	sfence.sel $0x180000  }
0x141: {  	[bflag:$0x0] =	sbarrier.arrive $0xFFFF  }
0x142: {  	p0 =	sne.s32 s1, $0x0;
	_ =	strace $0x90000047  }
0x143: {  	s0 =	sadd.s32 @!p0 $0x100000, s0;
	[bflag:$0x2] =	sbarrier.arrive $0xFFFF  }
0x144: {  	[sflag:s0] =	ssyncadd.tile.s32 @!p0 $0x1;
	_ =	shalt  }
.Lfunc_end2:
_tile_overlayer_lowered:
.L_overlay_start_2:
0x145: {  	(tag) =	ssettag $0x2  }
0x146: {  	s0 =	rddreg [dreg:$0x0];
	s2 =	stileid.u32  }
0x147: {  	s1 =	rddreg [dreg:$0x1];
	p0 =	sne.s32 s2, $0x0  }
0x148: {  	s3 =	rddreg [dreg:$0x2];
	[bflag:$0x3] =	sbarrier.arrive $0xFFFF;
	s2 =	simm.s32 @!p0 $0x1C02  }
0x149: {  	[timem:s3], [sflag:s2] =	dma.local @!p0 [hbm:s0], s1  }
0x14a: {  	s0 =	simm.s32 @!p0 $0x2  }
0x14b: {  	_ =	swait.ge @!p0 [sflag:s0], s1  }
0x14c: {  	s1 =	ssub.s32 @!p0 $0x0, s1;
	[sflag:s0] =	ssyncset.done @!p0 $0x0  }
0x14d: {  	[sflag:s0] =	ssyncadd.s32 @!p0 s1  }
0x14e: {  	[bflag:$0x3] =	sbarrier.arrive $0xFFFF  }
0x14f: {  	_ =	shalt  }

</sc_bundles>
